<compile_context>
chip_gen: v7x
topology: tpu7x:2x2x1
jax: 0.10.2.dev20260603
libtpu: 0.0.44.dev20260713+nightly
codegen_flags: <defaults>
</compile_context>

<pallas_src>
import functools

import jax
import jax.numpy as jnp
from jax import lax
from jax.experimental import pallas as pl
from jax.experimental.pallas import tpu as pltpu
from jax.experimental.pallas import tpu_sc as plsc

CONTEXT_LENGTH = 8192
EMBEDDING_DIM = 1024
BATCH = 4
ROWS = BATCH * CONTEXT_LENGTH

SEQ_BLOCK = 1024
SC_START = 7168
SC_SEQ = CONTEXT_LENGTH - SC_START

NUM_CORES = 2
NUM_SUBCORES = 16
NUM_WORKERS = NUM_CORES * NUM_SUBCORES
SEQ_PER_WORKER = SC_SEQ // NUM_WORKERS
CHUNK_ROWS = 16
NUM_CHUNKS = SEQ_PER_WORKER // CHUNK_ROWS

_mesh = plsc.VectorSubcoreMesh(core_axis_name="c", subcore_axis_name="s")


@functools.partial(
    pl.kernel,
    mesh=_mesh,
    out_type=jax.ShapeDtypeStruct((ROWS, EMBEDDING_DIM), jnp.float32),
    scratch_types=(
        [pltpu.VMEM((CHUNK_ROWS, EMBEDDING_DIM), jnp.float32) for _ in range(BATCH)]
        + [pltpu.VMEM((CHUNK_ROWS, EMBEDDING_DIM), jnp.float32)]
        + [pltpu.SemaphoreType.DMA for _ in range(2 * BATCH + 1)]
    ),
)
def _sc_add(x_hbm, pos_hbm, out_hbm, xv0, xv1, xv2, xv3, pv,
            l0, l1, l2, l3, s0, s1, s2, s3, psem):
    bufs = (xv0, xv1, xv2, xv3)
    lsems = (l0, l1, l2, l3)
    ssems = (s0, s1, s2, s3)
    wid = lax.axis_index("s") * NUM_CORES + lax.axis_index("c")
    seq_base = SC_START + wid * SEQ_PER_WORKER

    @pl.loop(0, NUM_CHUNKS)
    def _chunk(ci):
        prow = seq_base + ci * CHUNK_ROWS
        pcopy = pltpu.async_copy(pos_hbm.at[pl.ds(prow, CHUNK_ROWS)], pv, psem)
        for b in range(BATCH):
            xrow = b * CONTEXT_LENGTH + prow

            @pl.when(ci > 0)
            def _drain():
                pltpu.make_async_copy(
                    bufs[b], out_hbm.at[pl.ds(xrow - CHUNK_ROWS, CHUNK_ROWS)], ssems[b]
                ).wait()

            pltpu.async_copy(x_hbm.at[pl.ds(xrow, CHUNK_ROWS)], bufs[b], lsems[b])
        pcopy.wait()
        for b in range(BATCH):
            xrow = b * CONTEXT_LENGTH + prow
            buf = bufs[b]
            pltpu.make_async_copy(
                x_hbm.at[pl.ds(xrow, CHUNK_ROWS)], buf, lsems[b]
            ).wait()

            @pl.loop(0, CHUNK_ROWS)
            def _row(r):
                @plsc.parallel_loop(0, EMBEDDING_DIM, step=16, unroll=16)
                def _add(i):
                    s = pl.ds(i, 16)
                    buf[r, s] = buf[r, s] + pv[r, s]

            pltpu.async_copy(buf, out_hbm.at[pl.ds(xrow, CHUNK_ROWS)], ssems[b])

    last = seq_base + (NUM_CHUNKS - 1) * CHUNK_ROWS
    for b in range(BATCH):
        pltpu.make_async_copy(
            bufs[b], out_hbm.at[pl.ds(b * CONTEXT_LENGTH + last, CHUNK_ROWS)], ssems[b]
        ).wait()


def _tc_add_kernel(x_ref, pos_ref, prev_ref, out_ref):
    del prev_ref
    out_ref[...] = x_ref[...] + pos_ref[...][None]


def _tc_fill(x, pos_table, sc_out3):
    grid = (SC_START // SEQ_BLOCK, BATCH)
    return pl.pallas_call(
        _tc_add_kernel,
        grid=grid,
        in_specs=[
            pl.BlockSpec((1, SEQ_BLOCK, EMBEDDING_DIM), lambda i, b: (b, i, 0)),
            pl.BlockSpec((SEQ_BLOCK, EMBEDDING_DIM), lambda i, b: (i, 0)),
            pl.BlockSpec((1, 8, 128), lambda i, b: (0, 0, 0)),
        ],
        out_specs=pl.BlockSpec((1, SEQ_BLOCK, EMBEDDING_DIM), lambda i, b: (b, i, 0)),
        out_shape=jax.ShapeDtypeStruct(x.shape, x.dtype),
        input_output_aliases={2: 0},
    )(x, pos_table, sc_out3)


def kernel(x, pos_table):
    x2 = x.reshape(ROWS, EMBEDDING_DIM)
    sc_out = _sc_add(x2, pos_table)
    out = _tc_fill(x, pos_table, sc_out.reshape(x.shape))
    return out

# --- scband reference (transcript-rebuilt; emitter-appended) ---
"""Pipeline reference for scband-learned-48034914238882 (READ-ONLY COPY).

The authoritative reference and input builder live on the scoring server;
editing this copy changes nothing except your own understanding.
"""

import jax, jax.numpy as jnp
import numpy as np

CONTEXT_LENGTH = 8192
EMBEDDING_DIM = 1024
BATCH = 4

def setup_inputs(seed: int = 0) -> dict:
    key = jax.random.key(seed)
    k1, k2 = jax.random.split(key)
    x = jax.random.normal(k1, (BATCH, CONTEXT_LENGTH, EMBEDDING_DIM), dtype=jnp.float32)
    # nn.Embedding default init: N(0, 1)
    pos_table = jax.random.normal(k2, (CONTEXT_LENGTH, EMBEDDING_DIM), dtype=jnp.float32)
    return {"x": x, "pos_table": pos_table}

def reference(x, pos_table):
    pos_indices = jnp.arange(CONTEXT_LENGTH)
    pos_embedding = jnp.take(pos_table, pos_indices, axis=0)
    return x + pos_embedding

if __name__ == "__main__":
    import jax
    _d = setup_inputs()
    print(jax.jit(kernel)(*tuple(_d.values())))

</pallas_src>

<mosaic_0001>
#map = affine_map<(d0, d1) -> (0, 0)>
module attributes {stable_mosaic.version = 14 : i64} {
  func.func @_sc_add(%arg0: i32, %arg1: i32, %arg2: memref<32768x1024xf32, #tpu.memory_space<hbm>>, %arg3: memref<8192x1024xf32, #tpu.memory_space<hbm>>, %arg4: memref<32768x1024xf32, #tpu.memory_space<hbm>>, %arg5: memref<16x1024xf32, #tpu.memory_space<vmem>>, %arg6: memref<16x1024xf32, #tpu.memory_space<vmem>>, %arg7: memref<16x1024xf32, #tpu.memory_space<vmem>>, %arg8: memref<16x1024xf32, #tpu.memory_space<vmem>>, %arg9: memref<16x1024xf32, #tpu.memory_space<vmem>>, %arg10: memref<!tpu.dma_semaphore, #tpu.memory_space<semaphore_mem>>, %arg11: memref<!tpu.dma_semaphore, #tpu.memory_space<semaphore_mem>>, %arg12: memref<!tpu.dma_semaphore, #tpu.memory_space<semaphore_mem>>, %arg13: memref<!tpu.dma_semaphore, #tpu.memory_space<semaphore_mem>>, %arg14: memref<!tpu.dma_semaphore, #tpu.memory_space<semaphore_mem>>, %arg15: memref<!tpu.dma_semaphore, #tpu.memory_space<semaphore_mem>>, %arg16: memref<!tpu.dma_semaphore, #tpu.memory_space<semaphore_mem>>, %arg17: memref<!tpu.dma_semaphore, #tpu.memory_space<semaphore_mem>>, %arg18: memref<!tpu.dma_semaphore, #tpu.memory_space<semaphore_mem>>) attributes {dimension_semantics = [#tpu.dimension_semantics<core_parallel>, #tpu.dimension_semantics<subcore_parallel>], iteration_bounds = array<i64: 2, 16>, scalar_prefetch = 0 : i64, scratch_operands = 14 : i64, tpu.core_type = #tpu.core_type<sc_vector_subcore>, window_params = [{transform_indices = #map}, {transform_indices = #map}, {transform_indices = #map}]} {
    %mul3A = arith.constant 2 : i32
    %mul3A_0 = arith.muli %arg1, %mul3A : i32
    %add3A = arith.addi %mul3A_0, %arg0 : i32
    %mul3A_1 = arith.constant 32 : i32
    %mul3A_2 = arith.muli %add3A, %mul3A_1 : i32
    %add3A_3 = arith.constant 7168 : i32
    %add3A_4 = arith.addi %add3A_3, %mul3A_2 : i32
    %scan3A = arith.constant 0 : i32
    %scan3A_5 = arith.constant 2 : i32
    %scan3A_6 = arith.addi %scan3A, %scan3A_5 : i32
    %scan3A_7 = arith.constant 1 : i32
    scf.for %scan3A_34 = %scan3A to %scan3A_6 step %scan3A_7  : i32 {
      %mul3A_35 = arith.constant 1 : i32
      %mul3A_36 = arith.muli %scan3A_34, %mul3A_35 : i32
      %add3A_37 = arith.constant 0 : i32
      %add3A_38 = arith.addi %add3A_37, %mul3A_36 : i32
      %mul3A_39 = arith.constant 16 : i32
      %mul3A_40 = arith.muli %add3A_38, %mul3A_39 : i32
      %add3A_41 = arith.addi %add3A_4, %mul3A_40 : i32
      %dma_start3A = arith.constant 0 : i32
      %dma_start3A_42 = tpu.memref_slice %arg3[%add3A_41, %dma_start3A] : memref<8192x1024xf32, #tpu.memory_space<hbm>> -> memref<16x1024xf32, #tpu.memory_space<hbm>>
      %dma_start3A_43 = arith.constant 0 : i32
      %dma_start3A_44 = tpu.memref_slice %arg3[%add3A_41, %dma_start3A_43] : memref<8192x1024xf32, #tpu.memory_space<hbm>> -> memref<16x1024xf32, #tpu.memory_space<hbm>>
      tpu.enqueue_dma source(%dma_start3A_44 : memref<16x1024xf32, #tpu.memory_space<hbm>>) target(%arg9 : memref<16x1024xf32, #tpu.memory_space<vmem>>) target_semaphore(%arg18 : memref<!tpu.dma_semaphore, #tpu.memory_space<semaphore_mem>>)
      %add3A_45 = arith.constant 0 : i32
      %add3A_46 = arith.addi %add3A_45, %add3A_41 : i32
      %gt3A = arith.constant 0 : i32
      %gt3A_47 = arith.cmpi sgt, %add3A_38, %gt3A : i32
      %convert_element_type3A = arith.extui %gt3A_47 : i1 to i32
      %cond3A = arith.constant 0 : i32
      %cond3A_48 = arith.cmpi ne, %convert_element_type3A, %cond3A : i32
      scf.if %cond3A_48 {
        %sub3A = arith.constant 16 : i32
        %sub3A_150 = arith.subi %add3A_46, %sub3A : i32
        %dma_wait3A_151 = arith.constant 0 : i32
        %dma_wait3A_152 = tpu.memref_slice %arg4[%sub3A_150, %dma_wait3A_151] : memref<32768x1024xf32, #tpu.memory_space<hbm>> -> memref<16x1024xf32, #tpu.memory_space<hbm>>
        %dma_wait3A_153 = arith.constant 0 : i32
        %dma_wait3A_154 = tpu.memref_slice %arg4[%sub3A_150, %dma_wait3A_153] : memref<32768x1024xf32, #tpu.memory_space<hbm>> -> memref<16x1024xf32, #tpu.memory_space<hbm>>
        tpu.wait_dma2 semaphore(%arg14 : memref<!tpu.dma_semaphore, #tpu.memory_space<semaphore_mem>>) src(%arg5 : memref<16x1024xf32, #tpu.memory_space<vmem>>) dst(%dma_wait3A_154 : memref<16x1024xf32, #tpu.memory_space<hbm>>)
      } else {
      }
      %dma_start3A_49 = arith.constant 0 : i32
      %dma_start3A_50 = tpu.memref_slice %arg2[%add3A_46, %dma_start3A_49] : memref<32768x1024xf32, #tpu.memory_space<hbm>> -> memref<16x1024xf32, #tpu.memory_space<hbm>>
      %dma_start3A_51 = arith.constant 0 : i32
      %dma_start3A_52 = tpu.memref_slice %arg2[%add3A_46, %dma_start3A_51] : memref<32768x1024xf32, #tpu.memory_space<hbm>> -> memref<16x1024xf32, #tpu.memory_space<hbm>>
      tpu.enqueue_dma source(%dma_start3A_52 : memref<16x1024xf32, #tpu.memory_space<hbm>>) target(%arg5 : memref<16x1024xf32, #tpu.memory_space<vmem>>) target_semaphore(%arg10 : memref<!tpu.dma_semaphore, #tpu.memory_space<semaphore_mem>>)
      %add3A_53 = arith.constant 8192 : i32
      %add3A_54 = arith.addi %add3A_53, %add3A_41 : i32
      %gt3A_55 = arith.constant 0 : i32
      %gt3A_56 = arith.cmpi sgt, %add3A_38, %gt3A_55 : i32
      %convert_element_type3A_57 = arith.extui %gt3A_56 : i1 to i32
      %cond3A_58 = arith.constant 0 : i32
      %cond3A_59 = arith.cmpi ne, %convert_element_type3A_57, %cond3A_58 : i32
      scf.if %cond3A_59 {
        %sub3A = arith.constant 16 : i32
        %sub3A_150 = arith.subi %add3A_54, %sub3A : i32
        %dma_wait3A_151 = arith.constant 0 : i32
        %dma_wait3A_152 = tpu.memref_slice %arg4[%sub3A_150, %dma_wait3A_151] : memref<32768x1024xf32, #tpu.memory_space<hbm>> -> memref<16x1024xf32, #tpu.memory_space<hbm>>
        %dma_wait3A_153 = arith.constant 0 : i32
        %dma_wait3A_154 = tpu.memref_slice %arg4[%sub3A_150, %dma_wait3A_153] : memref<32768x1024xf32, #tpu.memory_space<hbm>> -> memref<16x1024xf32, #tpu.memory_space<hbm>>
        tpu.wait_dma2 semaphore(%arg15 : memref<!tpu.dma_semaphore, #tpu.memory_space<semaphore_mem>>) src(%arg6 : memref<16x1024xf32, #tpu.memory_space<vmem>>) dst(%dma_wait3A_154 : memref<16x1024xf32, #tpu.memory_space<hbm>>)
      } else {
      }
      %dma_start3A_60 = arith.constant 0 : i32
      %dma_start3A_61 = tpu.memref_slice %arg2[%add3A_54, %dma_start3A_60] : memref<32768x1024xf32, #tpu.memory_space<hbm>> -> memref<16x1024xf32, #tpu.memory_space<hbm>>
      %dma_start3A_62 = arith.constant 0 : i32
      %dma_start3A_63 = tpu.memref_slice %arg2[%add3A_54, %dma_start3A_62] : memref<32768x1024xf32, #tpu.memory_space<hbm>> -> memref<16x1024xf32, #tpu.memory_space<hbm>>
      tpu.enqueue_dma source(%dma_start3A_63 : memref<16x1024xf32, #tpu.memory_space<hbm>>) target(%arg6 : memref<16x1024xf32, #tpu.memory_space<vmem>>) target_semaphore(%arg11 : memref<!tpu.dma_semaphore, #tpu.memory_space<semaphore_mem>>)
      %add3A_64 = arith.constant 16384 : i32
      %add3A_65 = arith.addi %add3A_64, %add3A_41 : i32
      %gt3A_66 = arith.constant 0 : i32
      %gt3A_67 = arith.cmpi sgt, %add3A_38, %gt3A_66 : i32
      %convert_element_type3A_68 = arith.extui %gt3A_67 : i1 to i32
      %cond3A_69 = arith.constant 0 : i32
      %cond3A_70 = arith.cmpi ne, %convert_element_type3A_68, %cond3A_69 : i32
      scf.if %cond3A_70 {
        %sub3A = arith.constant 16 : i32
        %sub3A_150 = arith.subi %add3A_65, %sub3A : i32
        %dma_wait3A_151 = arith.constant 0 : i32
        %dma_wait3A_152 = tpu.memref_slice %arg4[%sub3A_150, %dma_wait3A_151] : memref<32768x1024xf32, #tpu.memory_space<hbm>> -> memref<16x1024xf32, #tpu.memory_space<hbm>>
        %dma_wait3A_153 = arith.constant 0 : i32
        %dma_wait3A_154 = tpu.memref_slice %arg4[%sub3A_150, %dma_wait3A_153] : memref<32768x1024xf32, #tpu.memory_space<hbm>> -> memref<16x1024xf32, #tpu.memory_space<hbm>>
        tpu.wait_dma2 semaphore(%arg16 : memref<!tpu.dma_semaphore, #tpu.memory_space<semaphore_mem>>) src(%arg7 : memref<16x1024xf32, #tpu.memory_space<vmem>>) dst(%dma_wait3A_154 : memref<16x1024xf32, #tpu.memory_space<hbm>>)
      } else {
      }
      %dma_start3A_71 = arith.constant 0 : i32
      %dma_start3A_72 = tpu.memref_slice %arg2[%add3A_65, %dma_start3A_71] : memref<32768x1024xf32, #tpu.memory_space<hbm>> -> memref<16x1024xf32, #tpu.memory_space<hbm>>
      %dma_start3A_73 = arith.constant 0 : i32
      %dma_start3A_74 = tpu.memref_slice %arg2[%add3A_65, %dma_start3A_73] : memref<32768x1024xf32, #tpu.memory_space<hbm>> -> memref<16x1024xf32, #tpu.memory_space<hbm>>
      tpu.enqueue_dma source(%dma_start3A_74 : memref<16x1024xf32, #tpu.memory_space<hbm>>) target(%arg7 : memref<16x1024xf32, #tpu.memory_space<vmem>>) target_semaphore(%arg12 : memref<!tpu.dma_semaphore, #tpu.memory_space<semaphore_mem>>)
      %add3A_75 = arith.constant 24576 : i32
      %add3A_76 = arith.addi %add3A_75, %add3A_41 : i32
      %gt3A_77 = arith.constant 0 : i32
      %gt3A_78 = arith.cmpi sgt, %add3A_38, %gt3A_77 : i32
      %convert_element_type3A_79 = arith.extui %gt3A_78 : i1 to i32
      %cond3A_80 = arith.constant 0 : i32
      %cond3A_81 = arith.cmpi ne, %convert_element_type3A_79, %cond3A_80 : i32
      scf.if %cond3A_81 {
        %sub3A = arith.constant 16 : i32
        %sub3A_150 = arith.subi %add3A_76, %sub3A : i32
        %dma_wait3A_151 = arith.constant 0 : i32
        %dma_wait3A_152 = tpu.memref_slice %arg4[%sub3A_150, %dma_wait3A_151] : memref<32768x1024xf32, #tpu.memory_space<hbm>> -> memref<16x1024xf32, #tpu.memory_space<hbm>>
        %dma_wait3A_153 = arith.constant 0 : i32
        %dma_wait3A_154 = tpu.memref_slice %arg4[%sub3A_150, %dma_wait3A_153] : memref<32768x1024xf32, #tpu.memory_space<hbm>> -> memref<16x1024xf32, #tpu.memory_space<hbm>>
        tpu.wait_dma2 semaphore(%arg17 : memref<!tpu.dma_semaphore, #tpu.memory_space<semaphore_mem>>) src(%arg8 : memref<16x1024xf32, #tpu.memory_space<vmem>>) dst(%dma_wait3A_154 : memref<16x1024xf32, #tpu.memory_space<hbm>>)
      } else {
      }
      %dma_start3A_82 = arith.constant 0 : i32
      %dma_start3A_83 = tpu.memref_slice %arg2[%add3A_76, %dma_start3A_82] : memref<32768x1024xf32, #tpu.memory_space<hbm>> -> memref<16x1024xf32, #tpu.memory_space<hbm>>
      %dma_start3A_84 = arith.constant 0 : i32
      %dma_start3A_85 = tpu.memref_slice %arg2[%add3A_76, %dma_start3A_84] : memref<32768x1024xf32, #tpu.memory_space<hbm>> -> memref<16x1024xf32, #tpu.memory_space<hbm>>
      tpu.enqueue_dma source(%dma_start3A_85 : memref<16x1024xf32, #tpu.memory_space<hbm>>) target(%arg8 : memref<16x1024xf32, #tpu.memory_space<vmem>>) target_semaphore(%arg13 : memref<!tpu.dma_semaphore, #tpu.memory_space<semaphore_mem>>)
      %dma_wait3A_86 = arith.constant 0 : i32
      %dma_wait3A_87 = tpu.memref_slice %arg3[%add3A_41, %dma_wait3A_86] : memref<8192x1024xf32, #tpu.memory_space<hbm>> -> memref<16x1024xf32, #tpu.memory_space<hbm>>
      %dma_wait3A_88 = arith.constant 0 : i32
      %dma_wait3A_89 = tpu.memref_slice %arg3[%add3A_41, %dma_wait3A_88] : memref<8192x1024xf32, #tpu.memory_space<hbm>> -> memref<16x1024xf32, #tpu.memory_space<hbm>>
      tpu.wait_dma2 semaphore(%arg18 : memref<!tpu.dma_semaphore, #tpu.memory_space<semaphore_mem>>) src(%dma_wait3A_89 : memref<16x1024xf32, #tpu.memory_space<hbm>>) dst(%arg9 : memref<16x1024xf32, #tpu.memory_space<vmem>>)
      %add3A_90 = arith.constant 0 : i32
      %add3A_91 = arith.addi %add3A_90, %add3A_41 : i32
      %dma_wait3A_92 = arith.constant 0 : i32
      %dma_wait3A_93 = tpu.memref_slice %arg2[%add3A_91, %dma_wait3A_92] : memref<32768x1024xf32, #tpu.memory_space<hbm>> -> memref<16x1024xf32, #tpu.memory_space<hbm>>
      %dma_wait3A_94 = arith.constant 0 : i32
      %dma_wait3A_95 = tpu.memref_slice %arg2[%add3A_91, %dma_wait3A_94] : memref<32768x1024xf32, #tpu.memory_space<hbm>> -> memref<16x1024xf32, #tpu.memory_space<hbm>>
      tpu.wait_dma2 semaphore(%arg10 : memref<!tpu.dma_semaphore, #tpu.memory_space<semaphore_mem>>) src(%dma_wait3A_95 : memref<16x1024xf32, #tpu.memory_space<hbm>>) dst(%arg5 : memref<16x1024xf32, #tpu.memory_space<vmem>>)
      %scan3A_96 = arith.constant 0 : i32
      %scan3A_97 = arith.constant 16 : i32
      %scan3A_98 = arith.addi %scan3A_96, %scan3A_97 : i32
      %scan3A_99 = arith.constant 1 : i32
      scf.for %scan3A_150 = %scan3A_96 to %scan3A_98 step %scan3A_99  : i32 {
        %mul3A_151 = arith.constant 1 : i32
        %mul3A_152 = arith.muli %scan3A_150, %mul3A_151 : i32
        %add3A_153 = arith.constant 0 : i32
        %add3A_154 = arith.addi %add3A_153, %mul3A_152 : i32
        %parallel_loop3A = arith.constant 0 : i32
        %parallel_loop3A_155 = arith.constant 1024 : i32
        %parallel_loop3A_156 = arith.constant 16 : i32
        scf.for %parallel_loop3A_157 = %parallel_loop3A to %parallel_loop3A_155 step %parallel_loop3A_156  : i32 {
          %parallel_loop3A_158 = arith.index_cast %add3A_154 : i32 to index
          %parallel_loop3A_159 = arith.index_cast %parallel_loop3A_157 : i32 to index
          %parallel_loop3A_160 = tpu.vector_load %arg5[%parallel_loop3A_158, %parallel_loop3A_159] {strides = array<i32>} : memref<16x1024xf32, #tpu.memory_space<vmem>>, vector<1x16xf32>,
          %parallel_loop3A_161 = vector.shape_cast %parallel_loop3A_160 : vector<1x16xf32> to vector<16xf32>
          %parallel_loop3A_162 = arith.index_cast %add3A_154 : i32 to index
          %parallel_loop3A_163 = arith.index_cast %parallel_loop3A_157 : i32 to index
          %parallel_loop3A_164 = tpu.vector_load %arg9[%parallel_loop3A_162, %parallel_loop3A_163] {strides = array<i32>} : memref<16x1024xf32, #tpu.memory_space<vmem>>, vector<1x16xf32>,
          %parallel_loop3A_165 = vector.shape_cast %parallel_loop3A_164 : vector<1x16xf32> to vector<16xf32>
          %parallel_loop3A_166 = arith.addf %parallel_loop3A_161, %parallel_loop3A_165 : vector<16xf32>
          %parallel_loop3A_167 = arith.index_cast %add3A_154 : i32 to index
          %parallel_loop3A_168 = arith.index_cast %parallel_loop3A_157 : i32 to index
          %parallel_loop3A_169 = tpu.vector_load %arg5[%parallel_loop3A_167, %parallel_loop3A_168] {strides = array<i32>} : memref<16x1024xf32, #tpu.memory_space<vmem>>, vector<1x16xf32>,
          %parallel_loop3A_170 = vector.shape_cast %parallel_loop3A_169 : vector<1x16xf32> to vector<16xf32>
          %parallel_loop3A_171 = vector.shape_cast %parallel_loop3A_166 : vector<16xf32> to vector<1x16xf32>
          tpu.vector_store %arg5[%parallel_loop3A_167, %parallel_loop3A_168], %parallel_loop3A_171 {strides = array<i32>} : memref<16x1024xf32, #tpu.memory_space<vmem>>, vector<1x16xf32>,
        } {sc.loop_unroll_factor = 16 : i64, sc.parallel_access}
      }
      %scan3A_100 = arith.constant 16 : i32
      %dma_start3A_101 = arith.constant 0 : i32
      %dma_start3A_102 = tpu.memref_slice %arg4[%add3A_91, %dma_start3A_101] : memref<32768x1024xf32, #tpu.memory_space<hbm>> -> memref<16x1024xf32, #tpu.memory_space<hbm>>
      %dma_start3A_103 = arith.constant 0 : i32
      %dma_start3A_104 = tpu.memref_slice %arg4[%add3A_91, %dma_start3A_103] : memref<32768x1024xf32, #tpu.memory_space<hbm>> -> memref<16x1024xf32, #tpu.memory_space<hbm>>
      tpu.enqueue_dma source(%arg5 : memref<16x1024xf32, #tpu.memory_space<vmem>>) target(%dma_start3A_104 : memref<16x1024xf32, #tpu.memory_space<hbm>>) target_semaphore(%arg14 : memref<!tpu.dma_semaphore, #tpu.memory_space<semaphore_mem>>)
      %add3A_105 = arith.constant 8192 : i32
      %add3A_106 = arith.addi %add3A_105, %add3A_41 : i32
      %dma_wait3A_107 = arith.constant 0 : i32
      %dma_wait3A_108 = tpu.memref_slice %arg2[%add3A_106, %dma_wait3A_107] : memref<32768x1024xf32, #tpu.memory_space<hbm>> -> memref<16x1024xf32, #tpu.memory_space<hbm>>
      %dma_wait3A_109 = arith.constant 0 : i32
      %dma_wait3A_110 = tpu.memref_slice %arg2[%add3A_106, %dma_wait3A_109] : memref<32768x1024xf32, #tpu.memory_space<hbm>> -> memref<16x1024xf32, #tpu.memory_space<hbm>>
      tpu.wait_dma2 semaphore(%arg11 : memref<!tpu.dma_semaphore, #tpu.memory_space<semaphore_mem>>) src(%dma_wait3A_110 : memref<16x1024xf32, #tpu.memory_space<hbm>>) dst(%arg6 : memref<16x1024xf32, #tpu.memory_space<vmem>>)
      %scan3A_111 = arith.constant 0 : i32
      %scan3A_112 = arith.constant 16 : i32
      %scan3A_113 = arith.addi %scan3A_111, %scan3A_112 : i32
      %scan3A_114 = arith.constant 1 : i32
      scf.for %scan3A_150 = %scan3A_111 to %scan3A_113 step %scan3A_114  : i32 {
        %mul3A_151 = arith.constant 1 : i32
        %mul3A_152 = arith.muli %scan3A_150, %mul3A_151 : i32
        %add3A_153 = arith.constant 0 : i32
        %add3A_154 = arith.addi %add3A_153, %mul3A_152 : i32
        %parallel_loop3A = arith.constant 0 : i32
        %parallel_loop3A_155 = arith.constant 1024 : i32
        %parallel_loop3A_156 = arith.constant 16 : i32
        scf.for %parallel_loop3A_157 = %parallel_loop3A to %parallel_loop3A_155 step %parallel_loop3A_156  : i32 {
          %parallel_loop3A_158 = arith.index_cast %add3A_154 : i32 to index
          %parallel_loop3A_159 = arith.index_cast %parallel_loop3A_157 : i32 to index
          %parallel_loop3A_160 = tpu.vector_load %arg6[%parallel_loop3A_158, %parallel_loop3A_159] {strides = array<i32>} : memref<16x1024xf32, #tpu.memory_space<vmem>>, vector<1x16xf32>,
          %parallel_loop3A_161 = vector.shape_cast %parallel_loop3A_160 : vector<1x16xf32> to vector<16xf32>
          %parallel_loop3A_162 = arith.index_cast %add3A_154 : i32 to index
          %parallel_loop3A_163 = arith.index_cast %parallel_loop3A_157 : i32 to index
          %parallel_loop3A_164 = tpu.vector_load %arg9[%parallel_loop3A_162, %parallel_loop3A_163] {strides = array<i32>} : memref<16x1024xf32, #tpu.memory_space<vmem>>, vector<1x16xf32>,
          %parallel_loop3A_165 = vector.shape_cast %parallel_loop3A_164 : vector<1x16xf32> to vector<16xf32>
          %parallel_loop3A_166 = arith.addf %parallel_loop3A_161, %parallel_loop3A_165 : vector<16xf32>
          %parallel_loop3A_167 = arith.index_cast %add3A_154 : i32 to index
          %parallel_loop3A_168 = arith.index_cast %parallel_loop3A_157 : i32 to index
          %parallel_loop3A_169 = tpu.vector_load %arg6[%parallel_loop3A_167, %parallel_loop3A_168] {strides = array<i32>} : memref<16x1024xf32, #tpu.memory_space<vmem>>, vector<1x16xf32>,
          %parallel_loop3A_170 = vector.shape_cast %parallel_loop3A_169 : vector<1x16xf32> to vector<16xf32>
          %parallel_loop3A_171 = vector.shape_cast %parallel_loop3A_166 : vector<16xf32> to vector<1x16xf32>
          tpu.vector_store %arg6[%parallel_loop3A_167, %parallel_loop3A_168], %parallel_loop3A_171 {strides = array<i32>} : memref<16x1024xf32, #tpu.memory_space<vmem>>, vector<1x16xf32>,
        } {sc.loop_unroll_factor = 16 : i64, sc.parallel_access}
      }
      %scan3A_115 = arith.constant 16 : i32
      %dma_start3A_116 = arith.constant 0 : i32
      %dma_start3A_117 = tpu.memref_slice %arg4[%add3A_106, %dma_start3A_116] : memref<32768x1024xf32, #tpu.memory_space<hbm>> -> memref<16x1024xf32, #tpu.memory_space<hbm>>
      %dma_start3A_118 = arith.constant 0 : i32
      %dma_start3A_119 = tpu.memref_slice %arg4[%add3A_106, %dma_start3A_118] : memref<32768x1024xf32, #tpu.memory_space<hbm>> -> memref<16x1024xf32, #tpu.memory_space<hbm>>
      tpu.enqueue_dma source(%arg6 : memref<16x1024xf32, #tpu.memory_space<vmem>>) target(%dma_start3A_119 : memref<16x1024xf32, #tpu.memory_space<hbm>>) target_semaphore(%arg15 : memref<!tpu.dma_semaphore, #tpu.memory_space<semaphore_mem>>)
      %add3A_120 = arith.constant 16384 : i32
      %add3A_121 = arith.addi %add3A_120, %add3A_41 : i32
      %dma_wait3A_122 = arith.constant 0 : i32
      %dma_wait3A_123 = tpu.memref_slice %arg2[%add3A_121, %dma_wait3A_122] : memref<32768x1024xf32, #tpu.memory_space<hbm>> -> memref<16x1024xf32, #tpu.memory_space<hbm>>
      %dma_wait3A_124 = arith.constant 0 : i32
      %dma_wait3A_125 = tpu.memref_slice %arg2[%add3A_121, %dma_wait3A_124] : memref<32768x1024xf32, #tpu.memory_space<hbm>> -> memref<16x1024xf32, #tpu.memory_space<hbm>>
      tpu.wait_dma2 semaphore(%arg12 : memref<!tpu.dma_semaphore, #tpu.memory_space<semaphore_mem>>) src(%dma_wait3A_125 : memref<16x1024xf32, #tpu.memory_space<hbm>>) dst(%arg7 : memref<16x1024xf32, #tpu.memory_space<vmem>>)
      %scan3A_126 = arith.constant 0 : i32
      %scan3A_127 = arith.constant 16 : i32
      %scan3A_128 = arith.addi %scan3A_126, %scan3A_127 : i32
      %scan3A_129 = arith.constant 1 : i32
      scf.for %scan3A_150 = %scan3A_126 to %scan3A_128 step %scan3A_129  : i32 {
        %mul3A_151 = arith.constant 1 : i32
        %mul3A_152 = arith.muli %scan3A_150, %mul3A_151 : i32
        %add3A_153 = arith.constant 0 : i32
        %add3A_154 = arith.addi %add3A_153, %mul3A_152 : i32
        %parallel_loop3A = arith.constant 0 : i32
        %parallel_loop3A_155 = arith.constant 1024 : i32
        %parallel_loop3A_156 = arith.constant 16 : i32
        scf.for %parallel_loop3A_157 = %parallel_loop3A to %parallel_loop3A_155 step %parallel_loop3A_156  : i32 {
          %parallel_loop3A_158 = arith.index_cast %add3A_154 : i32 to index
          %parallel_loop3A_159 = arith.index_cast %parallel_loop3A_157 : i32 to index
          %parallel_loop3A_160 = tpu.vector_load %arg7[%parallel_loop3A_158, %parallel_loop3A_159] {strides = array<i32>} : memref<16x1024xf32, #tpu.memory_space<vmem>>, vector<1x16xf32>,
          %parallel_loop3A_161 = vector.shape_cast %parallel_loop3A_160 : vector<1x16xf32> to vector<16xf32>
          %parallel_loop3A_162 = arith.index_cast %add3A_154 : i32 to index
          %parallel_loop3A_163 = arith.index_cast %parallel_loop3A_157 : i32 to index
          %parallel_loop3A_164 = tpu.vector_load %arg9[%parallel_loop3A_162, %parallel_loop3A_163] {strides = array<i32>} : memref<16x1024xf32, #tpu.memory_space<vmem>>, vector<1x16xf32>,
          %parallel_loop3A_165 = vector.shape_cast %parallel_loop3A_164 : vector<1x16xf32> to vector<16xf32>
          %parallel_loop3A_166 = arith.addf %parallel_loop3A_161, %parallel_loop3A_165 : vector<16xf32>
          %parallel_loop3A_167 = arith.index_cast %add3A_154 : i32 to index
          %parallel_loop3A_168 = arith.index_cast %parallel_loop3A_157 : i32 to index
          %parallel_loop3A_169 = tpu.vector_load %arg7[%parallel_loop3A_167, %parallel_loop3A_168] {strides = array<i32>} : memref<16x1024xf32, #tpu.memory_space<vmem>>, vector<1x16xf32>,
          %parallel_loop3A_170 = vector.shape_cast %parallel_loop3A_169 : vector<1x16xf32> to vector<16xf32>
          %parallel_loop3A_171 = vector.shape_cast %parallel_loop3A_166 : vector<16xf32> to vector<1x16xf32>
          tpu.vector_store %arg7[%parallel_loop3A_167, %parallel_loop3A_168], %parallel_loop3A_171 {strides = array<i32>} : memref<16x1024xf32, #tpu.memory_space<vmem>>, vector<1x16xf32>,
        } {sc.loop_unroll_factor = 16 : i64, sc.parallel_access}
      }
      %scan3A_130 = arith.constant 16 : i32
      %dma_start3A_131 = arith.constant 0 : i32
      %dma_start3A_132 = tpu.memref_slice %arg4[%add3A_121, %dma_start3A_131] : memref<32768x1024xf32, #tpu.memory_space<hbm>> -> memref<16x1024xf32, #tpu.memory_space<hbm>>
      %dma_start3A_133 = arith.constant 0 : i32
      %dma_start3A_134 = tpu.memref_slice %arg4[%add3A_121, %dma_start3A_133] : memref<32768x1024xf32, #tpu.memory_space<hbm>> -> memref<16x1024xf32, #tpu.memory_space<hbm>>
      tpu.enqueue_dma source(%arg7 : memref<16x1024xf32, #tpu.memory_space<vmem>>) target(%dma_start3A_134 : memref<16x1024xf32, #tpu.memory_space<hbm>>) target_semaphore(%arg16 : memref<!tpu.dma_semaphore, #tpu.memory_space<semaphore_mem>>)
      %add3A_135 = arith.constant 24576 : i32
      %add3A_136 = arith.addi %add3A_135, %add3A_41 : i32
      %dma_wait3A_137 = arith.constant 0 : i32
      %dma_wait3A_138 = tpu.memref_slice %arg2[%add3A_136, %dma_wait3A_137] : memref<32768x1024xf32, #tpu.memory_space<hbm>> -> memref<16x1024xf32, #tpu.memory_space<hbm>>
      %dma_wait3A_139 = arith.constant 0 : i32
      %dma_wait3A_140 = tpu.memref_slice %arg2[%add3A_136, %dma_wait3A_139] : memref<32768x1024xf32, #tpu.memory_space<hbm>> -> memref<16x1024xf32, #tpu.memory_space<hbm>>
      tpu.wait_dma2 semaphore(%arg13 : memref<!tpu.dma_semaphore, #tpu.memory_space<semaphore_mem>>) src(%dma_wait3A_140 : memref<16x1024xf32, #tpu.memory_space<hbm>>) dst(%arg8 : memref<16x1024xf32, #tpu.memory_space<vmem>>)
      %scan3A_141 = arith.constant 0 : i32
      %scan3A_142 = arith.constant 16 : i32
      %scan3A_143 = arith.addi %scan3A_141, %scan3A_142 : i32
      %scan3A_144 = arith.constant 1 : i32
      scf.for %scan3A_150 = %scan3A_141 to %scan3A_143 step %scan3A_144  : i32 {
        %mul3A_151 = arith.constant 1 : i32
        %mul3A_152 = arith.muli %scan3A_150, %mul3A_151 : i32
        %add3A_153 = arith.constant 0 : i32
        %add3A_154 = arith.addi %add3A_153, %mul3A_152 : i32
        %parallel_loop3A = arith.constant 0 : i32
        %parallel_loop3A_155 = arith.constant 1024 : i32
        %parallel_loop3A_156 = arith.constant 16 : i32
        scf.for %parallel_loop3A_157 = %parallel_loop3A to %parallel_loop3A_155 step %parallel_loop3A_156  : i32 {
          %parallel_loop3A_158 = arith.index_cast %add3A_154 : i32 to index
          %parallel_loop3A_159 = arith.index_cast %parallel_loop3A_157 : i32 to index
          %parallel_loop3A_160 = tpu.vector_load %arg8[%parallel_loop3A_158, %parallel_loop3A_159] {strides = array<i32>} : memref<16x1024xf32, #tpu.memory_space<vmem>>, vector<1x16xf32>,
          %parallel_loop3A_161 = vector.shape_cast %parallel_loop3A_160 : vector<1x16xf32> to vector<16xf32>
          %parallel_loop3A_162 = arith.index_cast %add3A_154 : i32 to index
          %parallel_loop3A_163 = arith.index_cast %parallel_loop3A_157 : i32 to index
          %parallel_loop3A_164 = tpu.vector_load %arg9[%parallel_loop3A_162, %parallel_loop3A_163] {strides = array<i32>} : memref<16x1024xf32, #tpu.memory_space<vmem>>, vector<1x16xf32>,
          %parallel_loop3A_165 = vector.shape_cast %parallel_loop3A_164 : vector<1x16xf32> to vector<16xf32>
          %parallel_loop3A_166 = arith.addf %parallel_loop3A_161, %parallel_loop3A_165 : vector<16xf32>
          %parallel_loop3A_167 = arith.index_cast %add3A_154 : i32 to index
          %parallel_loop3A_168 = arith.index_cast %parallel_loop3A_157 : i32 to index
          %parallel_loop3A_169 = tpu.vector_load %arg8[%parallel_loop3A_167, %parallel_loop3A_168] {strides = array<i32>} : memref<16x1024xf32, #tpu.memory_space<vmem>>, vector<1x16xf32>,
          %parallel_loop3A_170 = vector.shape_cast %parallel_loop3A_169 : vector<1x16xf32> to vector<16xf32>
          %parallel_loop3A_171 = vector.shape_cast %parallel_loop3A_166 : vector<16xf32> to vector<1x16xf32>
          tpu.vector_store %arg8[%parallel_loop3A_167, %parallel_loop3A_168], %parallel_loop3A_171 {strides = array<i32>} : memref<16x1024xf32, #tpu.memory_space<vmem>>, vector<1x16xf32>,
        } {sc.loop_unroll_factor = 16 : i64, sc.parallel_access}
      }
      %scan3A_145 = arith.constant 16 : i32
      %dma_start3A_146 = arith.constant 0 : i32
      %dma_start3A_147 = tpu.memref_slice %arg4[%add3A_136, %dma_start3A_146] : memref<32768x1024xf32, #tpu.memory_space<hbm>> -> memref<16x1024xf32, #tpu.memory_space<hbm>>
      %dma_start3A_148 = arith.constant 0 : i32
      %dma_start3A_149 = tpu.memref_slice %arg4[%add3A_136, %dma_start3A_148] : memref<32768x1024xf32, #tpu.memory_space<hbm>> -> memref<16x1024xf32, #tpu.memory_space<hbm>>
      tpu.enqueue_dma source(%arg8 : memref<16x1024xf32, #tpu.memory_space<vmem>>) target(%dma_start3A_149 : memref<16x1024xf32, #tpu.memory_space<hbm>>) target_semaphore(%arg17 : memref<!tpu.dma_semaphore, #tpu.memory_space<semaphore_mem>>)
    }
    %scan3A_8 = arith.constant 2 : i32
    %add3A_9 = arith.constant 16 : i32
    %add3A_10 = arith.addi %add3A_4, %add3A_9 : i32
    %add3A_11 = arith.constant 0 : i32
    %add3A_12 = arith.addi %add3A_11, %add3A_10 : i32
    %dma_wait3A = arith.constant 0 : i32
    %dma_wait3A_13 = tpu.memref_slice %arg4[%add3A_12, %dma_wait3A] : memref<32768x1024xf32, #tpu.memory_space<hbm>> -> memref<16x1024xf32, #tpu.memory_space<hbm>>
    %dma_wait3A_14 = arith.constant 0 : i32
    %dma_wait3A_15 = tpu.memref_slice %arg4[%add3A_12, %dma_wait3A_14] : memref<32768x1024xf32, #tpu.memory_space<hbm>> -> memref<16x1024xf32, #tpu.memory_space<hbm>>
    tpu.wait_dma2 semaphore(%arg14 : memref<!tpu.dma_semaphore, #tpu.memory_space<semaphore_mem>>) src(%arg5 : memref<16x1024xf32, #tpu.memory_space<vmem>>) dst(%dma_wait3A_15 : memref<16x1024xf32, #tpu.memory_space<hbm>>)
    %add3A_16 = arith.constant 8192 : i32
    %add3A_17 = arith.addi %add3A_16, %add3A_10 : i32
    %dma_wait3A_18 = arith.constant 0 : i32
    %dma_wait3A_19 = tpu.memref_slice %arg4[%add3A_17, %dma_wait3A_18] : memref<32768x1024xf32, #tpu.memory_space<hbm>> -> memref<16x1024xf32, #tpu.memory_space<hbm>>
    %dma_wait3A_20 = arith.constant 0 : i32
    %dma_wait3A_21 = tpu.memref_slice %arg4[%add3A_17, %dma_wait3A_20] : memref<32768x1024xf32, #tpu.memory_space<hbm>> -> memref<16x1024xf32, #tpu.memory_space<hbm>>
    tpu.wait_dma2 semaphore(%arg15 : memref<!tpu.dma_semaphore, #tpu.memory_space<semaphore_mem>>) src(%arg6 : memref<16x1024xf32, #tpu.memory_space<vmem>>) dst(%dma_wait3A_21 : memref<16x1024xf32, #tpu.memory_space<hbm>>)
    %add3A_22 = arith.constant 16384 : i32
    %add3A_23 = arith.addi %add3A_22, %add3A_10 : i32
    %dma_wait3A_24 = arith.constant 0 : i32
    %dma_wait3A_25 = tpu.memref_slice %arg4[%add3A_23, %dma_wait3A_24] : memref<32768x1024xf32, #tpu.memory_space<hbm>> -> memref<16x1024xf32, #tpu.memory_space<hbm>>
    %dma_wait3A_26 = arith.constant 0 : i32
    %dma_wait3A_27 = tpu.memref_slice %arg4[%add3A_23, %dma_wait3A_26] : memref<32768x1024xf32, #tpu.memory_space<hbm>> -> memref<16x1024xf32, #tpu.memory_space<hbm>>
    tpu.wait_dma2 semaphore(%arg16 : memref<!tpu.dma_semaphore, #tpu.memory_space<semaphore_mem>>) src(%arg7 : memref<16x1024xf32, #tpu.memory_space<vmem>>) dst(%dma_wait3A_27 : memref<16x1024xf32, #tpu.memory_space<hbm>>)
    %add3A_28 = arith.constant 24576 : i32
    %add3A_29 = arith.addi %add3A_28, %add3A_10 : i32
    %dma_wait3A_30 = arith.constant 0 : i32
    %dma_wait3A_31 = tpu.memref_slice %arg4[%add3A_29, %dma_wait3A_30] : memref<32768x1024xf32, #tpu.memory_space<hbm>> -> memref<16x1024xf32, #tpu.memory_space<hbm>>
    %dma_wait3A_32 = arith.constant 0 : i32
    %dma_wait3A_33 = tpu.memref_slice %arg4[%add3A_29, %dma_wait3A_32] : memref<32768x1024xf32, #tpu.memory_space<hbm>> -> memref<16x1024xf32, #tpu.memory_space<hbm>>
    tpu.wait_dma2 semaphore(%arg17 : memref<!tpu.dma_semaphore, #tpu.memory_space<semaphore_mem>>) src(%arg8 : memref<16x1024xf32, #tpu.memory_space<vmem>>) dst(%dma_wait3A_33 : memref<16x1024xf32, #tpu.memory_space<hbm>>)
    return
  }
}

module attributes {stable_mosaic.version = 14 : i64} {
  func.func @_tc_add_kernel(%arg0: i32, %arg1: i32, %arg2: memref<1x1024x1024xf32, #tpu.memory_space<vmem>>, %arg3: memref<1024x1024xf32, #tpu.memory_space<vmem>>, %arg4: memref<1x8x128xf32, #tpu.memory_space<vmem>>, %arg5: memref<1x1024x1024xf32, #tpu.memory_space<vmem>>) attributes {dimension_semantics = [#tpu.dimension_semantics<arbitrary>, #tpu.dimension_semantics<arbitrary>], iteration_bounds = array<i64: 7, 4>, scalar_prefetch = 0 : i64, scratch_operands = 0 : i64, tpu.core_type = #tpu.core_type<tc>, window_params = [{transform_indices = @transform_0, window_bounds = array<i64: 1, 1024, 1024>}, {transform_indices = @transform_1, window_bounds = array<i64: 1024, 1024>}, {transform_indices = @transform_2, window_bounds = array<i64: 1, 8, 128>}, {transform_indices = @transform_3, window_bounds = array<i64: 1, 1024, 1024>}]} {
    %get3A = arith.constant 0 : index
    %get3A_0 = arith.constant 0 : index
    %get3A_1 = arith.constant 0 : index
    %get3A_2 = vector.load %arg2[%get3A, %get3A_0, %get3A_1] : memref<1x1024x1024xf32, #tpu.memory_space<vmem>>, vector<1x1024x1024xf32>
    %get3A_3 = arith.constant 0 : index
    %get3A_4 = arith.constant 0 : index
    %get3A_5 = vector.load %arg3[%get3A_3, %get3A_4] : memref<1024x1024xf32, #tpu.memory_space<vmem>>, vector<1024x1024xf32>
    %broadcast_in_dim3A = vector.shape_cast %get3A_5 : vector<1024x1024xf32> to vector<1x1024x1024xf32>
    %add3A = arith.addf %get3A_2, %broadcast_in_dim3A : vector<1x1024x1024xf32>
    %swap3A = arith.constant 0 : index
    %swap3A_6 = arith.constant 0 : index
    %swap3A_7 = arith.constant 0 : index
    %swap3A_8 = vector.load %arg5[%swap3A, %swap3A_6, %swap3A_7] : memref<1x1024x1024xf32, #tpu.memory_space<vmem>>, vector<1x1024x1024xf32>
    tpu.vector_store %arg5[%swap3A, %swap3A_6, %swap3A_7], %add3A {strides = array<i32>} : memref<1x1024x1024xf32, #tpu.memory_space<vmem>>, vector<1x1024x1024xf32>,
    return
  }
  func.func @transform_0(%arg0: i32, %arg1: i32) -> (i32, i32, i32) {
    %c0_i32 = arith.constant 0 : i32
    %c0_i32_0 = arith.constant 0 : i32
    return %arg1, %arg0, %c0_i32 : i32, i32, i32
  }
  func.func @transform_1(%arg0: i32, %arg1: i32) -> (i32, i32) {
    %c0_i32 = arith.constant 0 : i32
    %c0_i32_0 = arith.constant 0 : i32
    return %arg0, %c0_i32 : i32, i32
  }
  func.func @transform_2(%arg0: i32, %arg1: i32) -> (i32, i32, i32) {
    %c0_i32 = arith.constant 0 : i32
    %c0_i32_0 = arith.constant 0 : i32
    %c0_i32_1 = arith.constant 0 : i32
    %c0_i32_2 = arith.constant 0 : i32
    return %c0_i32, %c0_i32_0, %c0_i32_1 : i32, i32, i32
  }
  func.func @transform_3(%arg0: i32, %arg1: i32) -> (i32, i32, i32) {
    %c0_i32 = arith.constant 0 : i32
    %c0_i32_0 = arith.constant 0 : i32
    return %arg1, %arg0, %c0_i32 : i32, i32, i32
  }
}

</mosaic_0001>

<sc_bundles>
// kernel: kernel.4.cloned.1.call-start
scs
__scs_entry_jumppad:
0x0: {  	(pc) =	sbr.rel $0x88, $3  }
0x1: {  	(tag) =	ssettag $0x0;
	lr =	simm.s32 $0x1  }
0x2: {  	[smem:$0x3F9F] =	sst lr;
	_ =	strace $0xD0000000  }
0x3: {  	_ = 	snop  }
0x4: {  	_ = 	snop  }
0x5: {  	_ = 	snop  }
0x6: {  	_ = 	snop  }
0x7: {  	_ = 	snop  }
__scs_overlays_trampoline_lowered:
0x8: {  	[smem:$0x3FAE] =	sst s0  }
0x9: {  	[smem:$0x3FAF] =	sst s1  }
0xa: {  	[smem:$0x3FB0] =	sst s2  }
0xb: {  	[smem:$0x3FB1] =	sst s3  }
0xc: {  	[smem:$0x3FB2] =	sst s4  }
0xd: {  	[smem:$0x3FB3] =	sst s5  }
0xe: {  	[smem:$0x3FB4] =	sst s6  }
0xf: {  	[smem:$0x3FB5] =	sst s7  }
0x10: {  	[smem:$0x3FB6] =	sst s8  }
0x11: {  	[smem:$0x3FB7] =	sst s9;
	s0 =	simm.s32 @!p0 $0x0  }
0x12: {  	s1 =	sld [smem:$0x3F9D];
	s0 =	simm.s32 @p0 $0x1  }
0x13: {  	[smem:$0x3FB8] =	sst s0;
	s0 =	simm.s32 @!p1 $0x0  }
0x14: {  	s2 =	sld [smem:$0x3F9C];
	s0 =	simm.s32 @p1 $0x1  }
0x15: {  	[smem:$0x3FB9] =	sst s0;
	s0 =	simm.s32 @!p2 $0x0  }
0x16: {  	s3 =	sld [smem:$0x3FDB];
	s0 =	simm.s32 @p2 $0x1  }
0x17: {  	s4 =	simm.s32 $0x1BF5;
	[smem:$0x3FBB] =	sst s0  }
0x18: {  	s0 =	sld [smem:$0x3F9E];
	_ =	swait.ge [sflag:s4], $0x0  }
0x19: {  	s7 =	sld [smem:$0x3F9F]  }
0x1a: {  	s8 =	sadd.s32 $0xFFFFE003, lr  }
0x1b: {  	s9 =	sadd.s32 $0xFFFFFEF7, lr;
	s5 =	simm.s32 $0xFFFFFFFF;
	p2 =	slt.u32 s8, $0xFFFFF086  }
0x1c: {  	p1 =	slt.u32 s9, $0xF7A;
	s5 =	simm.s32 @!p2 $0x0  }
0x1d: {  	s5 =	simm.s32 @p1 $0x1;
	p0 =	seq.s32 s7, s2  }
0x1e: {  	s7 =	smul.u32 @!p0 $0xF7A, s2;
	p2 =	seq.s32 @!p0 s5, $0x0  }
0x1f: {  	s9 =	smul.u32 $0xF7A, s1;
	s8 =	simm.s32 @!p0 $0x1BF5;
	p2 =	por !p2, p0  }
0x20: {  	[sflag:s8] =	ssyncset.s32 @!p0 $0xFFFFF086;
	s6 =	sadd.s32 @!p0 s3, s7;
	s7 =	simm.s32 @!p0 $0x108  }
0x21: {  	s3 =	sadd.s32 s3, s9;
	s6 =	sadd.s32 @!p0 $0x88, s6;
	s7 =	simm.s32 @p2 $0x1082  }
0x22: {  	[simem:s7], [sflag:s8] =	dma.local @!p0 [hbm:s6], $0xF7A  }
0x23: {  	s9 =	sor.u32 $0xD0000000, s2;
	s6 =	simm.s32 $0x108;
	_ =	swait.ge @!p0 [sflag:s8], $0x0  }
0x24: {  	s3 =	sadd.s32 $0x88, s3;
	s6 =	simm.s32 @!p1 $0x1082;
	[sflag:s4] =	ssyncset.s32 $0xFFFFF086  }
0x25: {  	[simem:s6], [sflag:s4] =	dma.local [hbm:s3], $0xF7A  }
0x26: {  	[smem:$0x3F9F] =	sst s1;
	(tag) =	ssettag s2;
	_ =	strace s9  }
0x27: {  	s1 =	sld [smem:$0x3FAF]  }
0x28: {  	s2 =	sld [smem:$0x3FB0]  }
0x29: {  	s4 =	sld [smem:$0x3FB2]  }
0x2a: {  	p0 =	seq.s32 s5, $0x0;
	s5 =	sld [smem:$0x3FB3]  }
0x2b: {  	s6 =	sld [smem:$0x3FB4]  }
0x2c: {  	s7 =	sld [smem:$0x3FB5]  }
0x2d: {  	s3 =	simm.s32 $0x108;
	s8 =	sld [smem:$0x3FB6]  }
0x2e: {  	s3 =	simm.s32 @!p0 $0x1082;
	s9 =	sld [smem:$0x3FB7]  }
0x2f: {  	lr =	sadd.s32 s0, s3;
	s0 =	sld [smem:$0x3FAE]  }
0x30: {  	s3 =	sld [smem:$0x3FB1]  }
0x31: {  	[smem:$0x3FBA] =	sst s10  }
0x32: {  	s10 =	sld [smem:$0x3FB8];
	_ =	sdelay $0x3  }
0x33: {  	p0 =	seq.s32 s10, $0x1;
	s10 =	sld [smem:$0x3FBA];
	_ =	sdelay $0x3  }
0x34: {  	[smem:$0x3FBA] =	sst s10  }
0x35: {  	s10 =	sld [smem:$0x3FB9];
	_ =	sdelay $0x3  }
0x36: {  	p1 =	seq.s32 s10, $0x1;
	s10 =	sld [smem:$0x3FBA];
	_ =	sdelay $0x3  }
0x37: {  	[smem:$0x3FBA] =	sst s10  }
0x38: {  	s10 =	sld [smem:$0x3FBB]  }
0x39: {  	_ = 	snop;
	(pc) =	sbr.ind lr, $3  }
0x3a: {  	_ = 	snop  }
0x3b: {  	_ = 	snop  }
0x3c: {  	p2 =	seq.s32 s10, $0x1;
	s10 =	sld [smem:$0x3FBA]  }
0x3d: {  	_ =	shalt  }
0x3e: {  	_ =	shalt  }
0x3f: {  	_ =	shalt  }
0x40: {  	_ =	shalt  }
0x41: {  	_ =	shalt  }
0x42: {  	_ =	shalt  }
0x43: {  	_ =	shalt  }
0x44: {  	_ =	shalt  }
0x45: {  	_ =	shalt  }
0x46: {  	_ =	shalt  }
0x47: {  	_ =	shalt  }
0x48: {  	_ =	shalt  }
0x49: {  	_ =	shalt  }
0x4a: {  	_ =	shalt  }
0x4b: {  	_ =	shalt  }
0x4c: {  	_ =	shalt  }
0x4d: {  	_ =	shalt  }
0x4e: {  	_ =	shalt  }
0x4f: {  	_ =	shalt  }
0x50: {  	_ =	shalt  }
0x51: {  	_ =	shalt  }
0x52: {  	_ =	shalt  }
0x53: {  	_ =	shalt  }
0x54: {  	_ =	shalt  }
0x55: {  	_ =	shalt  }
0x56: {  	_ =	shalt  }
0x57: {  	_ =	shalt  }
0x58: {  	_ =	shalt  }
0x59: {  	_ =	shalt  }
0x5a: {  	_ =	shalt  }
0x5b: {  	_ =	shalt  }
0x5c: {  	_ =	shalt  }
0x5d: {  	_ =	shalt  }
0x5e: {  	_ =	shalt  }
0x5f: {  	_ =	shalt  }
0x60: {  	_ =	shalt  }
0x61: {  	_ =	shalt  }
0x62: {  	_ =	shalt  }
0x63: {  	_ =	shalt  }
0x64: {  	_ =	shalt  }
0x65: {  	_ =	shalt  }
0x66: {  	_ =	shalt  }
0x67: {  	_ =	shalt  }
0x68: {  	_ =	shalt  }
0x69: {  	_ =	shalt  }
0x6a: {  	_ =	shalt  }
0x6b: {  	_ =	shalt  }
0x6c: {  	_ =	shalt  }
0x6d: {  	_ =	shalt  }
0x6e: {  	_ =	shalt  }
0x6f: {  	_ =	shalt  }
0x70: {  	_ =	shalt  }
0x71: {  	_ =	shalt  }
0x72: {  	_ =	shalt  }
0x73: {  	_ =	shalt  }
0x74: {  	_ =	shalt  }
0x75: {  	_ =	shalt  }
0x76: {  	_ =	shalt  }
0x77: {  	_ =	shalt  }
0x78: {  	_ =	shalt  }
0x79: {  	_ =	shalt  }
0x7a: {  	_ =	shalt  }
0x7b: {  	_ =	shalt  }
0x7c: {  	_ =	shalt  }
0x7d: {  	_ =	shalt  }
0x7e: {  	_ =	shalt  }
0x7f: {  	_ =	shalt  }
0x80: {  	_ =	shalt  }
0x81: {  	_ =	shalt  }
0x82: {  	_ =	shalt  }
0x83: {  	_ =	shalt  }
0x84: {  	_ =	shalt  }
0x85: {  	_ =	shalt  }
0x86: {  	_ =	shalt  }
0x87: {  	_ =	shalt  }
.Lfunc_end0:
.L_simem_size_0:
called_computation_lowered:
.L_overlay_start_0:
0x88: {  	s2 =	sld [smem:$0x3FD9]  }
0x89: {  	s3 =	sld [smem:$0x3FFE];
	_ =	sdelay $0x1  }
0x8a: {  	s1 =	srdreg.scid  }
0x8b: {  	s0 =	sand.u32 $0x1, s1  }
0x8c: {  	s18 =	sshll.u32 s0, $0xA;
	s2 =	sadd.s32 s3, s2  }
0x8d: {  	s2 =	sadd.s32 s2, s18  }
0x8e: {  	[smem:$0x3FC6] =	sst s2  }
0x8f: {  	_ = 	snop  }
0x90: {  	s2 =	sld [smem:$0x3FC9]  }
0x91: {  	s19 =	sld [smem:$0x3FC8]  }
0x92: {  	s4 =	sld [smem:$0x3FD0];
	(tm) =	ssettm $0x1  }
0x93: {  	s5 =	sld [smem:$0x3FFB];
	_ =	sdelay $0x3  }
0x94: {  	_ =	strace s5  }
0x95: {  	s5 =	sld [smem:$0x3FFC];
	_ =	sdelay $0x3  }
0x96: {  	_ =	strace s5  }
0x97: {  	s5 =	sld [smem:$0x3FFD];
	_ =	sdelay $0x3  }
0x98: {  	_ =	strace s5  }
0x99: {  	_ =	strace $0x8FFFFFFF  }
0x9a: {  	s20 =	sld [smem:$0x3FDB];
	_ =	sdelay $0x1  }
0x9b: {  	s6 =	simm.s32 $_scs_section_size  }
0x9c: {  	s7 =	simm.s32 $_size__tile_overlayer_lowered;
	s8 =	simm.s32 $_tile_overlayer_lowered  }
0x9d: {  	s23 =	simm.s32 $0x1BFF;
	s22 =	sshll.u32 s8, $0x1;
	s5 =	sadd.s32 s6, s20  }
0x9e: {  	s9 =	simm.s32 $0x0;
	s21 =	sshll.u32 s7, $0x1;
	s7 =	sadd.s32 s22, s5  }
0x9f: {  	[timem:s9], [sflag:s23] =	dma.local [hbm:s7], s21  }
0xa0: {  	_ =	swait.ge [sflag:s23], s21  }
0xa1: {  	s6 =	ssub.s32 $0x0, s21;
	[sflag:s23] =	ssyncset.done $0x0  }
0xa2: {  	[sflag:s23] =	ssyncadd.s32 s6;
	_ =	sdelay $0x1  }
0xa3: {  	s24 =	simm.s32 $0x1B8B  }
0xa4: {  	_ =	swait.ge [sflag:s24], $0x1  }
0xa5: {  	[sflag:s24] =	ssyncset.done $0x0  }
0xa6: {  	s25 =	simm.s32 $0x1B8E;
	[sflag:s24] =	ssyncadd.s32 $0xFFFFFFFF  }
0xa7: {  	s26 =	simm.s32 $execute0_lowered;
	[smem:$0x3FD2] =	sst s25  }
0xa8: {  	s6 =	sshll.u32 s26, $0x1;
	_ =	strace $0x80000046;
	[dreg:$0x1] =	wrdreg $0xFFFFFFFF  }
0xa9: {  	s28 =	simm.s32 $_size_execute0_lowered;
	s5 =	sadd.s32 s5, s6;
	[dreg:$0x0] =	wrdreg $0x0  }
0xaa: {  	s6 =	sshll.u32 s28, $0x1;
	[dreg:$0x2] =	wrdreg s5  }
0xab: {  	[dreg:$0x3] =	wrdreg s6  }
0xac: {  	[dreg:$0x4] =	wrdreg $0xC0  }
0xad: {  	_ =	task [dreg:s9], $0x5FFFF  }
0xae: {  	[dreg:$0x1] =	wrdreg $0xFFFFFFFF  }
0xaf: {  	[dreg:$0x0] =	wrdreg $0x60  }
0xb0: {  	[dreg:$0x2] =	wrdreg s2  }
0xb1: {  	[dreg:$0x3] =	wrdreg s19  }
0xb2: {  	[dreg:$0x4] =	wrdreg s4  }
0xb3: {  	[dreg:$0x5] =	wrdreg $0x9  }
0xb4: {  	_ =	task.clear_ibuf [dreg:s9], $0x6FFFF;
	_ =	strace $0x90000046  }
0xb5: {  	s29 =	simm.s32 $0x9;
	_ =	strace $0x80000048  }
0xb6: {  	_ =	swait.ge [sflag:s29], $0x1  }
0xb7: {  	[sflag:s29] =	ssyncadd.s32 $0xFFFFFFFF  }
0xb8: {  	_ =	strace $0x90000048  }
0xb9: {  	_ =	sfence  }
0xba: {  	s30 =	sld [smem:$0x0];
	_ =	sdelay $0x2  }
0xbb: {  	s31 =	sshll.u32 s1, $0xD;
	s1 =	sshrl.u32 s1, $0x2  }
0xbc: {  	s3 =	sand.u32 $0x4000, s31;
	s1 =	sadd.s32 s1, s30  }
0xbd: {  	s0 =	sor.u32 s3, s0;
	s1 =	sshll.u32 s1, $0x11  }
0xbe: {  	s0 =	sor.u32 s1, s0  }
0xbf: {  	s0 =	sadd.s32 $0x8F2B, s0  }
0xc0: {  	[sflag:s0] =	ssyncadd.remote.s32 $0x1  }
0xc1: {  	_ =	sfence.sel $0xFFFF  }
0xc2: {  	[dreg:$0x0] =	wrdreg $0xFFFFFFFF;
	(pc) =	sbr.abs _section_cstart, $3  }
0xc3: {  	[dreg:$0x1] =	wrdreg $0xFFFFFFFF  }
0xc4: {  	_ =	task.clear_ibuf [dreg:s9], $0x2FFFF;
	_ =	strace $0x9FFFFFFF  }
0xc5: {  	(tm) =	ssettm $0x7FFFFFFF  }
tec
execute0_lowered:
.L_overlay_start_1:
0x0: {  	(tag) =	ssettag $0x1  }
0x1: {  	s1 =	rddreg [dreg:$0x0]  }
0x2: {  	s2 =	rddreg [dreg:$0x1]  }
0x3: {  	s3 =	rddreg [dreg:$0x2]  }
0x4: {  	s0 =	srdreg.scid;
	s5 =	simm.s32 $0x0;
	s7 =	stileid.u32  }
0x5: {  	s8 =	simm.s32 $0x10000;
	s9 =	simm.s32 $0x4000;
	s10 =	simm.s32 $0x8000  }
0x6: {  	s11 =	simm.s32 $0xC000;
	s12 =	simm.s32 $0x9;
	s13 =	simm.s32 $0x1  }
0x7: {  	s14 =	simm.s32 $0x2;
	s15 =	simm.s32 $0x3;
	s16 =	simm.s32 $0x4  }
0x8: {  	s17 =	simm.s32 $0x5;
	s18 =	simm.s32 $0x6;
	s0 =	sand.u32 $0x1, s0  }
0x9: {  	s19 =	simm.s32 $0x7;
	s20 =	simm.s32 $0x8;
	s4 =	ssub.s32 $0x2, s0  }
0xa: {  	s21 =	simm.s32 $0x0;
	[smem:$0x7FF] =	sst s5;
	s6 =	sshrl.u32 s4, $0x1  }
0xb: {  	s7 =	sshll.u32 s7, $0xD;
	s0 =	sshll.u32 s0, $0xC;
	s4 =	ssub.s32 s4, s6  }
0xc: {  	_ =	strace $0x80000047;
	s6 =	sor.u32 s0, s7;
	s7 =	smax.u32 s4, $0x1  }
.LBB2_1:
0xd: {  	p1 =	por $0x1, $0x1;
	p2 =	por $0x0, $0x0;
	s0 =	simm.s32 $0x0  }
.LBB2_2:
0xe: {  	s0 =	sor.u32 s6, s0  }
0xf: {  	s25 =	sor.u32 $0xE0000, s0  }
0x10: {  	s4 =	sadd.s32 s2, s25  }
0x11: {  	[tilespmem:s8], [sflag:$0x9] =	stream.linear.gather [hbm4b:s4+s5], $0x4000, $0x38;
	[tilespmem:$0x14000] =	vst v63  }
0x12: {  	s22 =	simm.s32 @!p2 $0x0;
	s4 =	sadd.s32 @!p2 s1, s25  }
0x13: {  	[tilespmem:s22], [sflag:$0x1] =	stream.linear.gather @!p2 [hbm4b:s4+s22], $0x4000, $0x38;
	[tilespmem:$0x14000] =	vst v63  }
0x14: {  	s4 =	simm.s32 @p2 $0x5  }
0x15: {  	_ =	swait.ge @p2 [sflag:s4], $0x4000  }
0x16: {  	[sflag:s4] =	ssyncset.done @p2 $0x0  }
0x17: {  	s22 =	simm.s32 @p2 $0x0;
	[sflag:s4] =	ssyncadd.s32 @p2 $0xFFFFC000;
	s4 =	sadd.s32 @p2 s1, s25  }
0x18: {  	[tilespmem:s22], [sflag:$0x1] =	stream.linear.gather @p2 [hbm4b:s4+s22], $0x4000, $0x38;
	[tilespmem:$0x14000] =	vst v63  }
0x19: {  	s4 =	simm.s32 @p2 $0x6  }
0x1a: {  	_ =	swait.ge @p2 [sflag:s4], $0x4000  }
0x1b: {  	s24 =	sor.u32 $0x1E0000, s0;
	[sflag:s4] =	ssyncset.done @p2 $0x0  }
0x1c: {  	s30 =	sadd.s32 s1, s24;
	[sflag:s4] =	ssyncadd.s32 @p2 $0xFFFFC000;
	s4 =	simm.s32 @p2 $0x7  }
0x1d: {  	[tilespmem:s9], [sflag:$0x2] =	stream.linear.gather [hbm4b:s30+s5], $0x4000, $0x38;
	[tilespmem:$0x14000] =	vst v63  }
0x1e: {  	_ =	swait.ge @p2 [sflag:s4], $0x4000  }
0x1f: {  	s23 =	sor.u32 $0x2E0000, s0;
	[sflag:s4] =	ssyncset.done @p2 $0x0  }
0x20: {  	s31 =	sadd.s32 s1, s23;
	[sflag:s4] =	ssyncadd.s32 @p2 $0xFFFFC000;
	s4 =	simm.s32 @p2 $0x8  }
0x21: {  	[tilespmem:s10], [sflag:$0x3] =	stream.linear.gather [hbm4b:s31+s5], $0x4000, $0x38;
	[tilespmem:$0x14000] =	vst v63  }
0x22: {  	_ =	swait.ge @p2 [sflag:s4], $0x4000  }
0x23: {  	s22 =	sor.u32 $0x3E0000, s0;
	[sflag:s4] =	ssyncset.done @p2 $0x0  }
0x24: {  	s26 =	simm.s32 $0x0;
	s0 =	sadd.s32 s1, s22;
	[sflag:s4] =	ssyncadd.s32 @p2 $0xFFFFC000  }
0x25: {  	[tilespmem:s11], [sflag:$0x4] =	stream.linear.gather [hbm4b:s0+s26], $0x4000, $0x38;
	[tilespmem:$0x14000] =	vst v63  }
0x26: {  	_ =	swait.ge [sflag:s12], $0x4000  }
0x27: {  	[sflag:s12] =	ssyncset.done $0x0  }
0x28: {  	[sflag:s12] =	ssyncadd.s32 $0xFFFFC000  }
0x29: {  	_ =	swait.ge [sflag:s13], $0x4000  }
0x2a: {  	p0 =	por p1, p1;
	[sflag:s13] =	ssyncset.done $0x0  }
0x2b: {  	s28 =	simm.s32 $0x0;
	s29 =	simm.s32 $0x0;
	[sflag:s13] =	ssyncadd.s32 $0xFFFFC000  }
.LBB2_3:
0x2c: {  	s0 =	sshll.u32 s28, $0x2;
	s4 =	sand.u32 $0x7, s26  }
0x2d: {  	s0 =	sand.u32 $0xFFFF8000, s0;
	s4 =	sshll.u32 s4, $0x9  }
0x2e: {  	s0 =	sor.u32 s4, s0  }
0x2f: {  	s0 =	sshrl.u32 s0, $0x2  }
0x30: {  	s30 =	sor.u32 $0x400, s0  }
0x31: {  	s31 =	sadd.s32 $0x10400, s0;
	v1 =	vld [tilespmem:s30+$0x70]  }
0x32: {  	v2 =	vld [tilespmem:s31+$0x70]  }
0x33: {  	v0 =	vld [tilespmem:s31+$0xFFFFFC00]  }
0x34: {  	v3 =	vld [tilespmem:s30+$0xFFFFFC10]  }
0x35: {  	v4 =	vld [tilespmem:s31+$0xFFFFFC10]  }
0x36: {  	v5 =	vld [tilespmem:s30+$0xFFFFFC20]  }
0x37: {  	v6 =	vld [tilespmem:s31+$0xFFFFFC20]  }
0x38: {  	v7 =	vld [tilespmem:s30+$0xFFFFFC30]  }
0x39: {  	v8 =	vld [tilespmem:s31+$0xFFFFFC30]  }
0x3a: {  	v9 =	vld [tilespmem:s30+$0xFFFFFC40]  }
0x3b: {  	v10 =	vld [tilespmem:s31+$0xFFFFFC40]  }
0x3c: {  	v11 =	vld [tilespmem:s30+$0xFFFFFC50]  }
0x3d: {  	v12 =	vld [tilespmem:s31+$0xFFFFFC50]  }
0x3e: {  	v13 =	vld [tilespmem:s30+$0xFFFFFC60]  }
0x3f: {  	v14 =	vld [tilespmem:s31+$0xFFFFFC60]  }
0x40: {  	v15 =	vld [tilespmem:s30+$0xFFFFFC70]  }
0x41: {  	v16 =	vld [tilespmem:s31+$0xFFFFFC70]  }
0x42: {  	v17 =	vld [tilespmem:s30+$0x0]  }
0x43: {  	v61 =	vld [tilespmem:s31+$0x30];
	v1 =	vadd.f32 v2, v1  }
0x44: {  	v2 =	vld [tilespmem:s31+$0x0];
	v3 =	vadd.f32 v4, v3  }
0x45: {  	v4 =	vld [tilespmem:s30+$0x10];
	[tilespmem:s30+$0x70] =	vst v1;
	v1 =	vadd.f32 v6, v5  }
0x46: {  	v5 =	vld [tilespmem:s31+$0x10];
	[tilespmem:s30+$0xFFFFFC10] =	vst v3;
	v3 =	vadd.f32 v8, v7  }
0x47: {  	v6 =	vld [tilespmem:s30+$0x20];
	[tilespmem:s30+$0xFFFFFC20] =	vst v1;
	v1 =	vadd.f32 v10, v9  }
0x48: {  	v7 =	vld [tilespmem:s31+$0x20];
	[tilespmem:s30+$0xFFFFFC30] =	vst v3;
	v3 =	vadd.f32 v12, v11  }
0x49: {  	v8 =	vld [tilespmem:s30+$0x30];
	v2 =	vadd.f32 v2, v17;
	[tilespmem:s30+$0xFFFFFC40] =	vst v1  }
0x4a: {  	v62 =	vld [tilespmem:s30+$0x40];
	v1 =	vadd.f32 v14, v13;
	[tilespmem:s30+$0xFFFFFC50] =	vst v3  }
0x4b: {  	v63 =	vld [tilespmem:s31+$0x40];
	v3 =	vadd.f32 v16, v15;
	[tilespmem:s30+$0x0] =	vst v2  }
0x4c: {  	v4 =	vadd.f32 v5, v4;
	[tilespmem:s30+$0xFFFFFC60] =	vst v1;
	v1 =	vld [tilespmem:s30+$0x50]  }
0x4d: {  	v5 =	vadd.f32 v7, v6;
	[tilespmem:s30+$0xFFFFFC70] =	vst v3;
	v3 =	vld [tilespmem:s31+$0x50]  }
0x4e: {  	v6 =	vadd.f32 v61, v8;
	v2 =	vld [tilespmem:s30+$0x60];
	[tilespmem:s30+$0x10] =	vst v4  }
0x4f: {  	[tilespmem:s30+$0x20] =	vst v5;
	v5 =	vld [tilespmem:s31+$0x60]  }
0x50: {  	s0 =	simm.s32 $0x0;
	s4 =	sadd.s32 $0x800, s30;
	v4 =	vld [tilespmem:s30+$0xFFFFFC00];
	[tilespmem:s30+$0x30] =	vst v6;
	v6 =	vadd.f32 v63, v62  }
.LBB2_4:
0x51: {  	v7 =	vld [tilespmem:s4+$0x70];
	s31 =	sadd.s32 $0x800, s31  }
0x52: {  	s0 =	sadd.s32 $0x100, s0;
	v8 =	vld [tilespmem:s31+$0x70];
	[tilespmem:s30+$0x40] =	vst v6;
	v1 =	vadd.f32 v3, v1  }
0x53: {  	p1 =	slt.u32 s0, $0x300;
	v3 =	vld [tilespmem:s31+$0xFFFFFC00]  }
0x54: {  	v6 =	vld [tilespmem:s4+$0xFFFFFC10];
	[tilespmem:s30+$0x50] =	vst v1;
	v1 =	vadd.f32 v5, v2  }
0x55: {  	v2 =	vld [tilespmem:s31+$0xFFFFFC10];
	v9 =	vadd.f32 v0, v4  }
0x56: {  	v4 =	vld [tilespmem:s4+$0xFFFFFC20];
	[tilespmem:s30+$0x60] =	vst v1  }
0x57: {  	v1 =	vld [tilespmem:s31+$0xFFFFFC20];
	v5 =	vadd.f32 v8, v7;
	[tilespmem:s30+$0xFFFFFC00] =	vst v9;
	s30 =	smov.u32 s4  }
0x58: {  	v7 =	vld [tilespmem:s4+$0xFFFFFC30];
	v0 =	vmov v3  }
0x59: {  	v3 =	vld [tilespmem:s31+$0xFFFFFC30];
	[tilespmem:s4+$0x70] =	vst v5  }
0x5a: {  	v2 =	vadd.f32 v2, v6;
	v5 =	vld [tilespmem:s4+$0xFFFFFC40]  }
0x5b: {  	v6 =	vld [tilespmem:s31+$0xFFFFFC40]  }
0x5c: {  	[tilespmem:s4+$0xFFFFFC10] =	vst v2;
	v1 =	vadd.f32 v1, v4;
	v2 =	vld [tilespmem:s4+$0xFFFFFC50]  }
0x5d: {  	v4 =	vld [tilespmem:s31+$0xFFFFFC50]  }
0x5e: {  	[tilespmem:s4+$0xFFFFFC20] =	vst v1;
	v1 =	vadd.f32 v3, v7;
	v3 =	vld [tilespmem:s4+$0xFFFFFC60]  }
0x5f: {  	v7 =	vld [tilespmem:s31+$0xFFFFFC60]  }
0x60: {  	[tilespmem:s4+$0xFFFFFC30] =	vst v1;
	v1 =	vadd.f32 v6, v5;
	v5 =	vld [tilespmem:s4+$0xFFFFFC70]  }
0x61: {  	v6 =	vld [tilespmem:s31+$0xFFFFFC70]  }
0x62: {  	[tilespmem:s4+$0xFFFFFC40] =	vst v1;
	v1 =	vadd.f32 v4, v2;
	v2 =	vld [tilespmem:s4+$0x0]  }
0x63: {  	v4 =	vld [tilespmem:s31+$0x0]  }
0x64: {  	[tilespmem:s4+$0xFFFFFC50] =	vst v1;
	v1 =	vadd.f32 v7, v3;
	v3 =	vld [tilespmem:s4+$0x10]  }
0x65: {  	v7 =	vld [tilespmem:s31+$0x10]  }
0x66: {  	[tilespmem:s4+$0xFFFFFC60] =	vst v1;
	v1 =	vadd.f32 v6, v5;
	v5 =	vld [tilespmem:s4+$0x20]  }
0x67: {  	v6 =	vld [tilespmem:s31+$0x20]  }
0x68: {  	[tilespmem:s4+$0xFFFFFC70] =	vst v1;
	v1 =	vadd.f32 v4, v2;
	v2 =	vld [tilespmem:s4+$0x30]  }
0x69: {  	v4 =	vld [tilespmem:s31+$0x30]  }
0x6a: {  	[tilespmem:s4+$0x0] =	vst v1;
	v1 =	vadd.f32 v7, v3;
	v7 =	vld [tilespmem:s4+$0x40]  }
0x6b: {  	v8 =	vld [tilespmem:s31+$0x40]  }
.Ltmp0:
0x6c: {  	[tilespmem:s4+$0x10] =	vst v1;
	v5 =	vadd.f32 v6, v5;
	v1 =	vld [tilespmem:s4+$0x50];
	(pc) =	sbr.rel @p1 .LBB2_4-.Ltmp0, $4  }
0x6d: {  	v3 =	vld [tilespmem:s31+$0x50]  }
0x6e: {  	[tilespmem:s4+$0x20] =	vst v5;
	v6 =	vadd.f32 v4, v2;
	v2 =	vld [tilespmem:s4+$0x60]  }
0x6f: {  	v5 =	vld [tilespmem:s31+$0x60]  }
0x70: {  	s4 =	sadd.s32 $0x800, s4;
	v4 =	vld [tilespmem:s30+$0xFFFFFC00];
	[tilespmem:s30+$0x30] =	vst v6;
	v6 =	vadd.f32 v8, v7  }
0x71: {  	s29 =	sadd.s32 $0x1, s29  }
0x72: {  	p1 =	sne.s32 s29, $0x10  }
.Ltmp1:
0x73: {  	v1 =	vadd.f32 v3, v1;
	(pc) =	sbr.rel @p1 .LBB2_3-.Ltmp1, $4  }
0x74: {  	[tilespmem:s30+$0x40] =	vst v6;
	v2 =	vadd.f32 v5, v2  }
0x75: {  	[tilespmem:s30+$0x50] =	vst v1;
	v0 =	vadd.f32 v0, v4  }
0x76: {  	[tilespmem:s30+$0x60] =	vst v2  }
0x77: {  	s28 =	sadd.s32 $0x400, s28;
	s26 =	sadd.s32 $0x1, s26;
	[tilespmem:s30+$0xFFFFFC00] =	vst v0  }
0x78: {  	s0 =	sadd.s32 s3, s25;
	s25 =	simm.s32 $0x0  }
0x79: {  	[hbm4b:s0+s25] =	stream.linear.scatter [tilespmem:s25], [sflag:$0x5], $0x4000, $0x38;
	[tilespmem:$0x14000] =	vst v63  }
0x7a: {  	_ =	swait.ge [sflag:s14], $0x4000  }
0x7b: {  	[sflag:s14] =	ssyncset.done $0x0  }
0x7c: {  	s26 =	simm.s32 $0x0;
	s28 =	simm.s32 $0x0;
	[sflag:s14] =	ssyncadd.s32 $0xFFFFC000  }
.LBB2_7:
0x7d: {  	s0 =	sshll.u32 s26, $0x2;
	s4 =	sand.u32 $0x7, s25  }
0x7e: {  	s0 =	sand.u32 $0xFFFF8000, s0;
	s4 =	sshll.u32 s4, $0x9  }
0x7f: {  	s0 =	sor.u32 s4, s0  }
0x80: {  	s0 =	sshrl.u32 s0, $0x2  }
0x81: {  	s29 =	sadd.s32 $0x4400, s0  }
0x82: {  	s30 =	sadd.s32 $0x10400, s0;
	v1 =	vld [tilespmem:s29+$0x70]  }
0x83: {  	v2 =	vld [tilespmem:s30+$0x70]  }
0x84: {  	v0 =	vld [tilespmem:s30+$0xFFFFFC00]  }
0x85: {  	v3 =	vld [tilespmem:s29+$0xFFFFFC10]  }
0x86: {  	v4 =	vld [tilespmem:s30+$0xFFFFFC10]  }
0x87: {  	v5 =	vld [tilespmem:s29+$0xFFFFFC20]  }
0x88: {  	v6 =	vld [tilespmem:s30+$0xFFFFFC20]  }
0x89: {  	v7 =	vld [tilespmem:s29+$0xFFFFFC30]  }
0x8a: {  	v8 =	vld [tilespmem:s30+$0xFFFFFC30]  }
0x8b: {  	v9 =	vld [tilespmem:s29+$0xFFFFFC40]  }
0x8c: {  	v10 =	vld [tilespmem:s30+$0xFFFFFC40]  }
0x8d: {  	v11 =	vld [tilespmem:s29+$0xFFFFFC50]  }
0x8e: {  	v12 =	vld [tilespmem:s30+$0xFFFFFC50]  }
0x8f: {  	v13 =	vld [tilespmem:s29+$0xFFFFFC60]  }
0x90: {  	v14 =	vld [tilespmem:s30+$0xFFFFFC60]  }
0x91: {  	v15 =	vld [tilespmem:s29+$0xFFFFFC70]  }
0x92: {  	v16 =	vld [tilespmem:s30+$0xFFFFFC70]  }
0x93: {  	v17 =	vld [tilespmem:s29+$0x0]  }
0x94: {  	v61 =	vld [tilespmem:s30+$0x30];
	v1 =	vadd.f32 v2, v1  }
0x95: {  	v2 =	vld [tilespmem:s30+$0x0];
	v3 =	vadd.f32 v4, v3  }
0x96: {  	v4 =	vld [tilespmem:s29+$0x10];
	[tilespmem:s29+$0x70] =	vst v1;
	v1 =	vadd.f32 v6, v5  }
0x97: {  	v5 =	vld [tilespmem:s30+$0x10];
	[tilespmem:s29+$0xFFFFFC10] =	vst v3;
	v3 =	vadd.f32 v8, v7  }
0x98: {  	v6 =	vld [tilespmem:s29+$0x20];
	[tilespmem:s29+$0xFFFFFC20] =	vst v1;
	v1 =	vadd.f32 v10, v9  }
0x99: {  	v7 =	vld [tilespmem:s30+$0x20];
	[tilespmem:s29+$0xFFFFFC30] =	vst v3;
	v3 =	vadd.f32 v12, v11  }
0x9a: {  	v8 =	vld [tilespmem:s29+$0x30];
	v2 =	vadd.f32 v2, v17;
	[tilespmem:s29+$0xFFFFFC40] =	vst v1  }
0x9b: {  	v62 =	vld [tilespmem:s29+$0x40];
	v1 =	vadd.f32 v14, v13;
	[tilespmem:s29+$0xFFFFFC50] =	vst v3  }
0x9c: {  	v63 =	vld [tilespmem:s30+$0x40];
	v3 =	vadd.f32 v16, v15;
	[tilespmem:s29+$0x0] =	vst v2  }
0x9d: {  	v4 =	vadd.f32 v5, v4;
	[tilespmem:s29+$0xFFFFFC60] =	vst v1;
	v1 =	vld [tilespmem:s29+$0x50]  }
0x9e: {  	v5 =	vadd.f32 v7, v6;
	[tilespmem:s29+$0xFFFFFC70] =	vst v3;
	v3 =	vld [tilespmem:s30+$0x50]  }
0x9f: {  	v6 =	vadd.f32 v61, v8;
	v2 =	vld [tilespmem:s29+$0x60];
	[tilespmem:s29+$0x10] =	vst v4  }
0xa0: {  	[tilespmem:s29+$0x20] =	vst v5;
	v5 =	vld [tilespmem:s30+$0x60]  }
0xa1: {  	s0 =	simm.s32 $0x0;
	s4 =	sadd.s32 $0x800, s29;
	v4 =	vld [tilespmem:s29+$0xFFFFFC00];
	[tilespmem:s29+$0x30] =	vst v6;
	v6 =	vadd.f32 v63, v62  }
.LBB2_8:
0xa2: {  	v7 =	vld [tilespmem:s4+$0x70];
	s30 =	sadd.s32 $0x800, s30  }
0xa3: {  	s0 =	sadd.s32 $0x100, s0;
	v8 =	vld [tilespmem:s30+$0x70];
	[tilespmem:s29+$0x40] =	vst v6;
	v1 =	vadd.f32 v3, v1  }
0xa4: {  	p1 =	slt.u32 s0, $0x300;
	v3 =	vld [tilespmem:s30+$0xFFFFFC00]  }
0xa5: {  	v6 =	vld [tilespmem:s4+$0xFFFFFC10];
	[tilespmem:s29+$0x50] =	vst v1;
	v1 =	vadd.f32 v5, v2  }
0xa6: {  	v2 =	vld [tilespmem:s30+$0xFFFFFC10];
	v9 =	vadd.f32 v0, v4  }
0xa7: {  	v4 =	vld [tilespmem:s4+$0xFFFFFC20];
	[tilespmem:s29+$0x60] =	vst v1  }
0xa8: {  	v1 =	vld [tilespmem:s30+$0xFFFFFC20];
	v5 =	vadd.f32 v8, v7;
	[tilespmem:s29+$0xFFFFFC00] =	vst v9;
	s29 =	smov.u32 s4  }
0xa9: {  	v7 =	vld [tilespmem:s4+$0xFFFFFC30];
	v0 =	vmov v3  }
0xaa: {  	v3 =	vld [tilespmem:s30+$0xFFFFFC30];
	[tilespmem:s4+$0x70] =	vst v5  }
0xab: {  	v2 =	vadd.f32 v2, v6;
	v5 =	vld [tilespmem:s4+$0xFFFFFC40]  }
0xac: {  	v6 =	vld [tilespmem:s30+$0xFFFFFC40]  }
0xad: {  	[tilespmem:s4+$0xFFFFFC10] =	vst v2;
	v1 =	vadd.f32 v1, v4;
	v2 =	vld [tilespmem:s4+$0xFFFFFC50]  }
0xae: {  	v4 =	vld [tilespmem:s30+$0xFFFFFC50]  }
0xaf: {  	[tilespmem:s4+$0xFFFFFC20] =	vst v1;
	v1 =	vadd.f32 v3, v7;
	v3 =	vld [tilespmem:s4+$0xFFFFFC60]  }
0xb0: {  	v7 =	vld [tilespmem:s30+$0xFFFFFC60]  }
0xb1: {  	[tilespmem:s4+$0xFFFFFC30] =	vst v1;
	v1 =	vadd.f32 v6, v5;
	v5 =	vld [tilespmem:s4+$0xFFFFFC70]  }
0xb2: {  	v6 =	vld [tilespmem:s30+$0xFFFFFC70]  }
0xb3: {  	[tilespmem:s4+$0xFFFFFC40] =	vst v1;
	v1 =	vadd.f32 v4, v2;
	v2 =	vld [tilespmem:s4+$0x0]  }
0xb4: {  	v4 =	vld [tilespmem:s30+$0x0]  }
0xb5: {  	[tilespmem:s4+$0xFFFFFC50] =	vst v1;
	v1 =	vadd.f32 v7, v3;
	v3 =	vld [tilespmem:s4+$0x10]  }
0xb6: {  	v7 =	vld [tilespmem:s30+$0x10]  }
0xb7: {  	[tilespmem:s4+$0xFFFFFC60] =	vst v1;
	v1 =	vadd.f32 v6, v5;
	v5 =	vld [tilespmem:s4+$0x20]  }
0xb8: {  	v6 =	vld [tilespmem:s30+$0x20]  }
0xb9: {  	[tilespmem:s4+$0xFFFFFC70] =	vst v1;
	v1 =	vadd.f32 v4, v2;
	v2 =	vld [tilespmem:s4+$0x30]  }
0xba: {  	v4 =	vld [tilespmem:s30+$0x30]  }
0xbb: {  	[tilespmem:s4+$0x0] =	vst v1;
	v1 =	vadd.f32 v7, v3;
	v7 =	vld [tilespmem:s4+$0x40]  }
0xbc: {  	v8 =	vld [tilespmem:s30+$0x40]  }
.Ltmp2:
0xbd: {  	[tilespmem:s4+$0x10] =	vst v1;
	v5 =	vadd.f32 v6, v5;
	v1 =	vld [tilespmem:s4+$0x50];
	(pc) =	sbr.rel @p1 .LBB2_8-.Ltmp2, $4  }
0xbe: {  	v3 =	vld [tilespmem:s30+$0x50]  }
0xbf: {  	[tilespmem:s4+$0x20] =	vst v5;
	v6 =	vadd.f32 v4, v2;
	v2 =	vld [tilespmem:s4+$0x60]  }
0xc0: {  	v5 =	vld [tilespmem:s30+$0x60]  }
0xc1: {  	s4 =	sadd.s32 $0x800, s4;
	v4 =	vld [tilespmem:s29+$0xFFFFFC00];
	[tilespmem:s29+$0x30] =	vst v6;
	v6 =	vadd.f32 v8, v7  }
0xc2: {  	s28 =	sadd.s32 $0x1, s28  }
0xc3: {  	p1 =	sne.s32 s28, $0x10  }
.Ltmp3:
0xc4: {  	v1 =	vadd.f32 v3, v1;
	(pc) =	sbr.rel @p1 .LBB2_7-.Ltmp3, $4  }
0xc5: {  	[tilespmem:s29+$0x40] =	vst v6;
	v2 =	vadd.f32 v5, v2  }
0xc6: {  	[tilespmem:s29+$0x50] =	vst v1;
	v0 =	vadd.f32 v0, v4  }
0xc7: {  	[tilespmem:s29+$0x60] =	vst v2  }
0xc8: {  	s26 =	sadd.s32 $0x400, s26;
	s25 =	sadd.s32 $0x1, s25;
	[tilespmem:s29+$0xFFFFFC00] =	vst v0  }
0xc9: {  	s0 =	sadd.s32 s3, s24;
	s24 =	simm.s32 $0x0  }
0xca: {  	[hbm4b:s0+s24] =	stream.linear.scatter [tilespmem:s9], [sflag:$0x6], $0x4000, $0x38;
	[tilespmem:$0x14000] =	vst v63  }
0xcb: {  	_ =	swait.ge [sflag:s15], $0x4000  }
0xcc: {  	[sflag:s15] =	ssyncset.done $0x0  }
0xcd: {  	s25 =	simm.s32 $0x0;
	s26 =	simm.s32 $0x0;
	[sflag:s15] =	ssyncadd.s32 $0xFFFFC000  }
.LBB2_11:
0xce: {  	s0 =	sshll.u32 s25, $0x2;
	s4 =	sand.u32 $0x7, s24  }
0xcf: {  	s0 =	sand.u32 $0xFFFF8000, s0;
	s4 =	sshll.u32 s4, $0x9  }
0xd0: {  	s0 =	sor.u32 s4, s0  }
0xd1: {  	s0 =	sshrl.u32 s0, $0x2  }
0xd2: {  	s28 =	sadd.s32 $0x8400, s0  }
0xd3: {  	s29 =	sadd.s32 $0x10400, s0;
	v1 =	vld [tilespmem:s28+$0x70]  }
0xd4: {  	v2 =	vld [tilespmem:s29+$0x70]  }
0xd5: {  	v0 =	vld [tilespmem:s29+$0xFFFFFC00]  }
0xd6: {  	v3 =	vld [tilespmem:s28+$0xFFFFFC10]  }
0xd7: {  	v4 =	vld [tilespmem:s29+$0xFFFFFC10]  }
0xd8: {  	v5 =	vld [tilespmem:s28+$0xFFFFFC20]  }
0xd9: {  	v6 =	vld [tilespmem:s29+$0xFFFFFC20]  }
0xda: {  	v7 =	vld [tilespmem:s28+$0xFFFFFC30]  }
0xdb: {  	v8 =	vld [tilespmem:s29+$0xFFFFFC30]  }
0xdc: {  	v9 =	vld [tilespmem:s28+$0xFFFFFC40]  }
0xdd: {  	v10 =	vld [tilespmem:s29+$0xFFFFFC40]  }
0xde: {  	v11 =	vld [tilespmem:s28+$0xFFFFFC50]  }
0xdf: {  	v12 =	vld [tilespmem:s29+$0xFFFFFC50]  }
0xe0: {  	v13 =	vld [tilespmem:s28+$0xFFFFFC60]  }
0xe1: {  	v14 =	vld [tilespmem:s29+$0xFFFFFC60]  }
0xe2: {  	v15 =	vld [tilespmem:s28+$0xFFFFFC70]  }
0xe3: {  	v16 =	vld [tilespmem:s29+$0xFFFFFC70]  }
0xe4: {  	v17 =	vld [tilespmem:s28+$0x0]  }
0xe5: {  	v61 =	vld [tilespmem:s29+$0x30];
	v1 =	vadd.f32 v2, v1  }
0xe6: {  	v2 =	vld [tilespmem:s29+$0x0];
	v3 =	vadd.f32 v4, v3  }
0xe7: {  	v4 =	vld [tilespmem:s28+$0x10];
	[tilespmem:s28+$0x70] =	vst v1;
	v1 =	vadd.f32 v6, v5  }
0xe8: {  	v5 =	vld [tilespmem:s29+$0x10];
	[tilespmem:s28+$0xFFFFFC10] =	vst v3;
	v3 =	vadd.f32 v8, v7  }
0xe9: {  	v6 =	vld [tilespmem:s28+$0x20];
	[tilespmem:s28+$0xFFFFFC20] =	vst v1;
	v1 =	vadd.f32 v10, v9  }
0xea: {  	v7 =	vld [tilespmem:s29+$0x20];
	[tilespmem:s28+$0xFFFFFC30] =	vst v3;
	v3 =	vadd.f32 v12, v11  }
0xeb: {  	v8 =	vld [tilespmem:s28+$0x30];
	v2 =	vadd.f32 v2, v17;
	[tilespmem:s28+$0xFFFFFC40] =	vst v1  }
0xec: {  	v62 =	vld [tilespmem:s28+$0x40];
	v1 =	vadd.f32 v14, v13;
	[tilespmem:s28+$0xFFFFFC50] =	vst v3  }
0xed: {  	v63 =	vld [tilespmem:s29+$0x40];
	v3 =	vadd.f32 v16, v15;
	[tilespmem:s28+$0x0] =	vst v2  }
0xee: {  	v4 =	vadd.f32 v5, v4;
	[tilespmem:s28+$0xFFFFFC60] =	vst v1;
	v1 =	vld [tilespmem:s28+$0x50]  }
0xef: {  	v5 =	vadd.f32 v7, v6;
	[tilespmem:s28+$0xFFFFFC70] =	vst v3;
	v3 =	vld [tilespmem:s29+$0x50]  }
0xf0: {  	v6 =	vadd.f32 v61, v8;
	v2 =	vld [tilespmem:s28+$0x60];
	[tilespmem:s28+$0x10] =	vst v4  }
0xf1: {  	[tilespmem:s28+$0x20] =	vst v5;
	v5 =	vld [tilespmem:s29+$0x60]  }
0xf2: {  	s0 =	simm.s32 $0x0;
	s4 =	sadd.s32 $0x800, s28;
	v4 =	vld [tilespmem:s28+$0xFFFFFC00];
	[tilespmem:s28+$0x30] =	vst v6;
	v6 =	vadd.f32 v63, v62  }
.LBB2_12:
0xf3: {  	v7 =	vld [tilespmem:s4+$0x70];
	s29 =	sadd.s32 $0x800, s29  }
0xf4: {  	s0 =	sadd.s32 $0x100, s0;
	v8 =	vld [tilespmem:s29+$0x70];
	[tilespmem:s28+$0x40] =	vst v6;
	v1 =	vadd.f32 v3, v1  }
0xf5: {  	p1 =	slt.u32 s0, $0x300;
	v3 =	vld [tilespmem:s29+$0xFFFFFC00]  }
0xf6: {  	v6 =	vld [tilespmem:s4+$0xFFFFFC10];
	[tilespmem:s28+$0x50] =	vst v1;
	v1 =	vadd.f32 v5, v2  }
0xf7: {  	v2 =	vld [tilespmem:s29+$0xFFFFFC10];
	v9 =	vadd.f32 v0, v4  }
0xf8: {  	v4 =	vld [tilespmem:s4+$0xFFFFFC20];
	[tilespmem:s28+$0x60] =	vst v1  }
0xf9: {  	v1 =	vld [tilespmem:s29+$0xFFFFFC20];
	v5 =	vadd.f32 v8, v7;
	[tilespmem:s28+$0xFFFFFC00] =	vst v9;
	s28 =	smov.u32 s4  }
0xfa: {  	v7 =	vld [tilespmem:s4+$0xFFFFFC30];
	v0 =	vmov v3  }
0xfb: {  	v3 =	vld [tilespmem:s29+$0xFFFFFC30];
	[tilespmem:s4+$0x70] =	vst v5  }
0xfc: {  	v2 =	vadd.f32 v2, v6;
	v5 =	vld [tilespmem:s4+$0xFFFFFC40]  }
0xfd: {  	v6 =	vld [tilespmem:s29+$0xFFFFFC40]  }
0xfe: {  	[tilespmem:s4+$0xFFFFFC10] =	vst v2;
	v1 =	vadd.f32 v1, v4;
	v2 =	vld [tilespmem:s4+$0xFFFFFC50]  }
0xff: {  	v4 =	vld [tilespmem:s29+$0xFFFFFC50]  }
0x100: {  	[tilespmem:s4+$0xFFFFFC20] =	vst v1;
	v1 =	vadd.f32 v3, v7;
	v3 =	vld [tilespmem:s4+$0xFFFFFC60]  }
0x101: {  	v7 =	vld [tilespmem:s29+$0xFFFFFC60]  }
0x102: {  	[tilespmem:s4+$0xFFFFFC30] =	vst v1;
	v1 =	vadd.f32 v6, v5;
	v5 =	vld [tilespmem:s4+$0xFFFFFC70]  }
0x103: {  	v6 =	vld [tilespmem:s29+$0xFFFFFC70]  }
0x104: {  	[tilespmem:s4+$0xFFFFFC40] =	vst v1;
	v1 =	vadd.f32 v4, v2;
	v2 =	vld [tilespmem:s4+$0x0]  }
0x105: {  	v4 =	vld [tilespmem:s29+$0x0]  }
0x106: {  	[tilespmem:s4+$0xFFFFFC50] =	vst v1;
	v1 =	vadd.f32 v7, v3;
	v3 =	vld [tilespmem:s4+$0x10]  }
0x107: {  	v7 =	vld [tilespmem:s29+$0x10]  }
0x108: {  	[tilespmem:s4+$0xFFFFFC60] =	vst v1;
	v1 =	vadd.f32 v6, v5;
	v5 =	vld [tilespmem:s4+$0x20]  }
0x109: {  	v6 =	vld [tilespmem:s29+$0x20]  }
0x10a: {  	[tilespmem:s4+$0xFFFFFC70] =	vst v1;
	v1 =	vadd.f32 v4, v2;
	v2 =	vld [tilespmem:s4+$0x30]  }
0x10b: {  	v4 =	vld [tilespmem:s29+$0x30]  }
0x10c: {  	[tilespmem:s4+$0x0] =	vst v1;
	v1 =	vadd.f32 v7, v3;
	v7 =	vld [tilespmem:s4+$0x40]  }
0x10d: {  	v8 =	vld [tilespmem:s29+$0x40]  }
.Ltmp4:
0x10e: {  	[tilespmem:s4+$0x10] =	vst v1;
	v5 =	vadd.f32 v6, v5;
	v1 =	vld [tilespmem:s4+$0x50];
	(pc) =	sbr.rel @p1 .LBB2_12-.Ltmp4, $4  }
0x10f: {  	v3 =	vld [tilespmem:s29+$0x50]  }
0x110: {  	[tilespmem:s4+$0x20] =	vst v5;
	v6 =	vadd.f32 v4, v2;
	v2 =	vld [tilespmem:s4+$0x60]  }
0x111: {  	v5 =	vld [tilespmem:s29+$0x60]  }
0x112: {  	s4 =	sadd.s32 $0x800, s4;
	v4 =	vld [tilespmem:s28+$0xFFFFFC00];
	[tilespmem:s28+$0x30] =	vst v6;
	v6 =	vadd.f32 v8, v7  }
0x113: {  	s26 =	sadd.s32 $0x1, s26  }
0x114: {  	p1 =	sne.s32 s26, $0x10  }
.Ltmp5:
0x115: {  	v1 =	vadd.f32 v3, v1;
	(pc) =	sbr.rel @p1 .LBB2_11-.Ltmp5, $4  }
0x116: {  	[tilespmem:s28+$0x40] =	vst v6;
	v2 =	vadd.f32 v5, v2  }
0x117: {  	[tilespmem:s28+$0x50] =	vst v1;
	v0 =	vadd.f32 v0, v4  }
0x118: {  	[tilespmem:s28+$0x60] =	vst v2  }
0x119: {  	s25 =	sadd.s32 $0x400, s25;
	s24 =	sadd.s32 $0x1, s24;
	[tilespmem:s28+$0xFFFFFC00] =	vst v0  }
0x11a: {  	s0 =	sadd.s32 s3, s23;
	s23 =	simm.s32 $0x0  }
0x11b: {  	[hbm4b:s0+s23] =	stream.linear.scatter [tilespmem:s10], [sflag:$0x7], $0x4000, $0x38;
	[tilespmem:$0x14000] =	vst v63  }
0x11c: {  	_ =	swait.ge [sflag:s16], $0x4000  }
0x11d: {  	[sflag:s16] =	ssyncset.done $0x0  }
0x11e: {  	s24 =	simm.s32 $0x0;
	s25 =	simm.s32 $0x0;
	[sflag:s16] =	ssyncadd.s32 $0xFFFFC000  }
.LBB2_15:
0x11f: {  	s0 =	sshll.u32 s24, $0x2;
	s4 =	sand.u32 $0x7, s23  }
0x120: {  	s0 =	sand.u32 $0xFFFF8000, s0;
	s4 =	sshll.u32 s4, $0x9  }
0x121: {  	s0 =	sor.u32 s4, s0  }
0x122: {  	s0 =	sshrl.u32 s0, $0x2  }
0x123: {  	s26 =	sadd.s32 $0xC400, s0  }
0x124: {  	s28 =	sadd.s32 $0x10400, s0;
	v1 =	vld [tilespmem:s26+$0x70]  }
0x125: {  	v2 =	vld [tilespmem:s28+$0x70]  }
0x126: {  	v0 =	vld [tilespmem:s28+$0xFFFFFC00]  }
0x127: {  	v3 =	vld [tilespmem:s26+$0xFFFFFC10]  }
0x128: {  	v4 =	vld [tilespmem:s28+$0xFFFFFC10]  }
0x129: {  	v5 =	vld [tilespmem:s26+$0xFFFFFC20]  }
0x12a: {  	v6 =	vld [tilespmem:s28+$0xFFFFFC20]  }
0x12b: {  	v7 =	vld [tilespmem:s26+$0xFFFFFC30]  }
0x12c: {  	v8 =	vld [tilespmem:s28+$0xFFFFFC30]  }
0x12d: {  	v9 =	vld [tilespmem:s26+$0xFFFFFC40]  }
0x12e: {  	v10 =	vld [tilespmem:s28+$0xFFFFFC40]  }
0x12f: {  	v11 =	vld [tilespmem:s26+$0xFFFFFC50]  }
0x130: {  	v12 =	vld [tilespmem:s28+$0xFFFFFC50]  }
0x131: {  	v13 =	vld [tilespmem:s26+$0xFFFFFC60]  }
0x132: {  	v14 =	vld [tilespmem:s28+$0xFFFFFC60]  }
0x133: {  	v15 =	vld [tilespmem:s26+$0xFFFFFC70]  }
0x134: {  	v16 =	vld [tilespmem:s28+$0xFFFFFC70]  }
0x135: {  	v17 =	vld [tilespmem:s26+$0x0]  }
0x136: {  	v61 =	vld [tilespmem:s28+$0x30];
	v1 =	vadd.f32 v2, v1  }
0x137: {  	v2 =	vld [tilespmem:s28+$0x0];
	v3 =	vadd.f32 v4, v3  }
0x138: {  	v4 =	vld [tilespmem:s26+$0x10];
	[tilespmem:s26+$0x70] =	vst v1;
	v1 =	vadd.f32 v6, v5  }
0x139: {  	v5 =	vld [tilespmem:s28+$0x10];
	[tilespmem:s26+$0xFFFFFC10] =	vst v3;
	v3 =	vadd.f32 v8, v7  }
0x13a: {  	v6 =	vld [tilespmem:s26+$0x20];
	[tilespmem:s26+$0xFFFFFC20] =	vst v1;
	v1 =	vadd.f32 v10, v9  }
0x13b: {  	v7 =	vld [tilespmem:s28+$0x20];
	[tilespmem:s26+$0xFFFFFC30] =	vst v3;
	v3 =	vadd.f32 v12, v11  }
0x13c: {  	v8 =	vld [tilespmem:s26+$0x30];
	v2 =	vadd.f32 v2, v17;
	[tilespmem:s26+$0xFFFFFC40] =	vst v1  }
0x13d: {  	v62 =	vld [tilespmem:s26+$0x40];
	v1 =	vadd.f32 v14, v13;
	[tilespmem:s26+$0xFFFFFC50] =	vst v3  }
0x13e: {  	v63 =	vld [tilespmem:s28+$0x40];
	v3 =	vadd.f32 v16, v15;
	[tilespmem:s26+$0x0] =	vst v2  }
0x13f: {  	v4 =	vadd.f32 v5, v4;
	[tilespmem:s26+$0xFFFFFC60] =	vst v1;
	v1 =	vld [tilespmem:s26+$0x50]  }
0x140: {  	v5 =	vadd.f32 v7, v6;
	[tilespmem:s26+$0xFFFFFC70] =	vst v3;
	v3 =	vld [tilespmem:s28+$0x50]  }
0x141: {  	v6 =	vadd.f32 v61, v8;
	v2 =	vld [tilespmem:s26+$0x60];
	[tilespmem:s26+$0x10] =	vst v4  }
0x142: {  	[tilespmem:s26+$0x20] =	vst v5;
	v5 =	vld [tilespmem:s28+$0x60]  }
0x143: {  	s0 =	simm.s32 $0x0;
	s4 =	sadd.s32 $0x800, s26;
	v4 =	vld [tilespmem:s26+$0xFFFFFC00];
	[tilespmem:s26+$0x30] =	vst v6;
	v6 =	vadd.f32 v63, v62  }
.LBB2_16:
0x144: {  	v7 =	vld [tilespmem:s4+$0x70];
	s28 =	sadd.s32 $0x800, s28  }
0x145: {  	s0 =	sadd.s32 $0x100, s0;
	v8 =	vld [tilespmem:s28+$0x70];
	[tilespmem:s26+$0x40] =	vst v6;
	v1 =	vadd.f32 v3, v1  }
0x146: {  	p1 =	slt.u32 s0, $0x300;
	v3 =	vld [tilespmem:s28+$0xFFFFFC00]  }
0x147: {  	v6 =	vld [tilespmem:s4+$0xFFFFFC10];
	[tilespmem:s26+$0x50] =	vst v1;
	v1 =	vadd.f32 v5, v2  }
0x148: {  	v2 =	vld [tilespmem:s28+$0xFFFFFC10];
	v9 =	vadd.f32 v0, v4  }
0x149: {  	v4 =	vld [tilespmem:s4+$0xFFFFFC20];
	[tilespmem:s26+$0x60] =	vst v1  }
0x14a: {  	v1 =	vld [tilespmem:s28+$0xFFFFFC20];
	v5 =	vadd.f32 v8, v7;
	[tilespmem:s26+$0xFFFFFC00] =	vst v9;
	s26 =	smov.u32 s4  }
0x14b: {  	v7 =	vld [tilespmem:s4+$0xFFFFFC30];
	v0 =	vmov v3  }
0x14c: {  	v3 =	vld [tilespmem:s28+$0xFFFFFC30];
	[tilespmem:s4+$0x70] =	vst v5  }
0x14d: {  	v2 =	vadd.f32 v2, v6;
	v5 =	vld [tilespmem:s4+$0xFFFFFC40]  }
0x14e: {  	v6 =	vld [tilespmem:s28+$0xFFFFFC40]  }
0x14f: {  	[tilespmem:s4+$0xFFFFFC10] =	vst v2;
	v1 =	vadd.f32 v1, v4;
	v2 =	vld [tilespmem:s4+$0xFFFFFC50]  }
0x150: {  	v4 =	vld [tilespmem:s28+$0xFFFFFC50]  }
0x151: {  	[tilespmem:s4+$0xFFFFFC20] =	vst v1;
	v1 =	vadd.f32 v3, v7;
	v3 =	vld [tilespmem:s4+$0xFFFFFC60]  }
0x152: {  	v7 =	vld [tilespmem:s28+$0xFFFFFC60]  }
0x153: {  	[tilespmem:s4+$0xFFFFFC30] =	vst v1;
	v1 =	vadd.f32 v6, v5;
	v5 =	vld [tilespmem:s4+$0xFFFFFC70]  }
0x154: {  	v6 =	vld [tilespmem:s28+$0xFFFFFC70]  }
0x155: {  	[tilespmem:s4+$0xFFFFFC40] =	vst v1;
	v1 =	vadd.f32 v4, v2;
	v2 =	vld [tilespmem:s4+$0x0]  }
0x156: {  	v4 =	vld [tilespmem:s28+$0x0]  }
0x157: {  	[tilespmem:s4+$0xFFFFFC50] =	vst v1;
	v1 =	vadd.f32 v7, v3;
	v3 =	vld [tilespmem:s4+$0x10]  }
0x158: {  	v7 =	vld [tilespmem:s28+$0x10]  }
0x159: {  	[tilespmem:s4+$0xFFFFFC60] =	vst v1;
	v1 =	vadd.f32 v6, v5;
	v5 =	vld [tilespmem:s4+$0x20]  }
0x15a: {  	v6 =	vld [tilespmem:s28+$0x20]  }
0x15b: {  	[tilespmem:s4+$0xFFFFFC70] =	vst v1;
	v1 =	vadd.f32 v4, v2;
	v2 =	vld [tilespmem:s4+$0x30]  }
0x15c: {  	v4 =	vld [tilespmem:s28+$0x30]  }
0x15d: {  	[tilespmem:s4+$0x0] =	vst v1;
	v1 =	vadd.f32 v7, v3;
	v7 =	vld [tilespmem:s4+$0x40]  }
0x15e: {  	v8 =	vld [tilespmem:s28+$0x40]  }
.Ltmp6:
0x15f: {  	[tilespmem:s4+$0x10] =	vst v1;
	v5 =	vadd.f32 v6, v5;
	v1 =	vld [tilespmem:s4+$0x50];
	(pc) =	sbr.rel @p1 .LBB2_16-.Ltmp6, $4  }
0x160: {  	v3 =	vld [tilespmem:s28+$0x50]  }
0x161: {  	[tilespmem:s4+$0x20] =	vst v5;
	v6 =	vadd.f32 v4, v2;
	v2 =	vld [tilespmem:s4+$0x60]  }
0x162: {  	v5 =	vld [tilespmem:s28+$0x60]  }
0x163: {  	s4 =	sadd.s32 $0x800, s4;
	v4 =	vld [tilespmem:s26+$0xFFFFFC00];
	[tilespmem:s26+$0x30] =	vst v6;
	v6 =	vadd.f32 v8, v7  }
0x164: {  	s25 =	sadd.s32 $0x1, s25  }
0x165: {  	p1 =	sne.s32 s25, $0x10  }
.Ltmp7:
0x166: {  	v1 =	vadd.f32 v3, v1;
	(pc) =	sbr.rel @p1 .LBB2_15-.Ltmp7, $4  }
0x167: {  	[tilespmem:s26+$0x40] =	vst v6;
	v2 =	vadd.f32 v5, v2  }
0x168: {  	[tilespmem:s26+$0x50] =	vst v1;
	v0 =	vadd.f32 v0, v4  }
0x169: {  	[tilespmem:s26+$0x60] =	vst v2  }
0x16a: {  	s24 =	sadd.s32 $0x400, s24;
	s23 =	sadd.s32 $0x1, s23;
	[tilespmem:s26+$0xFFFFFC00] =	vst v0  }
.Ltmp8:
0x16b: {  	(pc) =	sbr.rel @p0 .LBB2_2-.Ltmp8, $4  }
0x16c: {  	_ = 	snop  }
0x16d: {  	s0 =	sadd.s32 s3, s22  }
0x16e: {  	[hbm4b:s0+s5] =	stream.linear.scatter [tilespmem:s11], [sflag:$0x8], $0x4000, $0x38;
	[tilespmem:$0x14000] =	vst v63  }
0x16f: {  	p1 =	por $0x0, $0x0;
	p2 =	por $0x1, $0x1;
	s0 =	simm.s32 $0x800  }
0x170: {  	_ =	swait.ge [sflag:s17], $0x4000  }
0x171: {  	[sflag:s17] =	ssyncset.done $0x0  }
0x172: {  	[sflag:s17] =	ssyncadd.s32 $0xFFFFC000  }
0x173: {  	_ =	swait.ge [sflag:s18], $0x4000  }
0x174: {  	[sflag:s18] =	ssyncset.done $0x0  }
0x175: {  	s21 =	sadd.s32 $0x1, s21;
	[sflag:s18] =	ssyncadd.s32 $0xFFFFC000  }
0x176: {  	p0 =	sne.s32 s21, s7;
	_ =	swait.ge [sflag:s19], $0x4000  }
.Ltmp9:
0x177: {  	[sflag:s19] =	ssyncset.done $0x0;
	(pc) =	sbr.rel @p0 .LBB2_1-.Ltmp9, $4  }
0x178: {  	[sflag:s19] =	ssyncadd.s32 $0xFFFFC000  }
0x179: {  	_ =	swait.ge [sflag:s20], $0x4000  }
0x17a: {  	[sflag:s20] =	ssyncset.done $0x0  }
0x17b: {  	[sflag:s20] =	ssyncadd.s32 $0xFFFFC000  }
0x17c: {  	_ =	sfence.sel $0x180000  }
0x17d: {  	[bflag:$0x0] =	sbarrier.arrive $0xFFFF  }
0x17e: {  	_ =	strace $0x90000047  }
0x17f: {  	s0 =	stileid.u32;
	[bflag:$0x2] =	sbarrier.arrive $0xFFFF  }
0x180: {  	p0 =	sne.s32 s0, $0x0;
	s0 =	rddreg [dreg:$0x3]  }
0x181: {  	s0 =	sadd.s32 @!p0 $0x100000, s0  }
0x182: {  	[sflag:s0] =	ssyncadd.tile.s32 @!p0 $0x1;
	_ =	shalt  }
.Lfunc_end2:
_tile_overlayer_lowered:
.L_overlay_start_2:
0x183: {  	(tag) =	ssettag $0x2  }
0x184: {  	s0 =	rddreg [dreg:$0x0];
	s2 =	stileid.u32  }
0x185: {  	s1 =	rddreg [dreg:$0x1];
	p0 =	sne.s32 s2, $0x0  }
0x186: {  	s3 =	rddreg [dreg:$0x2];
	[bflag:$0x3] =	sbarrier.arrive $0xFFFF;
	s2 =	simm.s32 @!p0 $0x1C0A  }
0x187: {  	[timem:s3], [sflag:s2] =	dma.local @!p0 [hbm:s0], s1  }
0x188: {  	s0 =	simm.s32 @!p0 $0xA  }
0x189: {  	_ =	swait.ge @!p0 [sflag:s0], s1  }
0x18a: {  	s1 =	ssub.s32 @!p0 $0x0, s1;
	[sflag:s0] =	ssyncset.done @!p0 $0x0  }
0x18b: {  	[sflag:s0] =	ssyncadd.s32 @!p0 s1  }
0x18c: {  	[bflag:$0x3] =	sbarrier.arrive $0xFFFF  }
0x18d: {  	_ =	shalt  }

</sc_bundles>
